<compile_context>
chip_gen: v7x
topology: tpu7x:2x2x1
jax: 0.10.2.dev20260603
libtpu: 0.0.44.dev20260713+nightly
codegen_flags: <defaults>
</compile_context>

<pallas_src>
import functools

import jax
import jax.numpy as jnp
from jax import lax
from jax.experimental import pallas as pl
from jax.experimental.pallas import tpu as pltpu, tpu_sc as plsc

_NT = 26
_V = 100000
_D = 32
_B = 16384
_O = 5
_K = _NT * _D
_RB = _B // 128


def _sc_stripe_gather(tabT, idx1):
    mesh = plsc.VectorSubcoreMesh(core_axis_name="c", subcore_axis_name="s")

    @functools.partial(
        pl.kernel,
        mesh=mesh,
        out_type=jax.ShapeDtypeStruct((_K, _RB, 128), jnp.float32),
        scratch_types=[
            pltpu.VMEM((_V,), jnp.float32),
            [pltpu.VMEM((_B // 2,), jnp.int32) for _ in range(2)],
            [pltpu.VMEM((32, 128), jnp.float32) for _ in range(2)],
            pltpu.SemaphoreType.DMA,
            pltpu.SemaphoreType.DMA,
            pltpu.SemaphoreType.DMA,
        ],
        compiler_params=pltpu.CompilerParams(
            use_tc_tiling_on_sc=True, needs_layout_passes=False
        ),
    )
    def k(tab_hbm, idx_hbm, out_hbm, stripe_v, idx_vs, out_vs, sem_s, sem_i,
          sem_o):
        wid = lax.axis_index("s") * 2 + lax.axis_index("c")

        def drain_out(n):
            for _ in range(n):
                pltpu.make_async_copy(
                    out_hbm.at[0, pl.ds(0, 32), :], out_vs[0], sem_o
                ).wait()

        def table_body(t, _):
            cp_s = pltpu.async_copy(tab_hbm.at[t, wid, :], stripe_v, sem_s)
            cp_i0 = pltpu.async_copy(
                idx_hbm.at[pl.ds(t * _B, _B // 2)], idx_vs[0], sem_i
            )
            cp_i1 = pltpu.async_copy(
                idx_hbm.at[pl.ds(t * _B + _B // 2, _B // 2)], idx_vs[1], sem_i
            )
            @pl.when(t > 0)
            def _():
                drain_out(2)

            cp_s.wait()
            cp_i0.wait()
            out_cps = []
            for c in range(4):
                if c == 2:
                    cp_i1.wait()
                if c >= 2:
                    out_cps[c - 2].wait()
                iv = idx_vs[c // 2]
                ov = out_vs[c % 2]

                def gat_body(r2, _, c=c, iv=iv, ov=ov):
                    for j in range(16):
                        off = (c % 2) * 4096 + r2 * 256 + j * 16
                        vidx = iv[pl.ds(off, 16)]
                        vals = plsc.load_gather(stripe_v, [vidx])
                        ov[r2 * 2 + j // 8, pl.ds((j % 8) * 16, 16)] = vals
                    return 0

                lax.fori_loop(0, 16, gat_body, 0)
                out_cps.append(
                    pltpu.async_copy(
                        ov,
                        out_hbm.at[t * _D + wid, pl.ds(c * 32, 32), :],
                        sem_o,
                    )
                )
            return 0

        lax.fori_loop(0, _NT, table_body, 0)
        drain_out(2)

    return k(tabT, idx1)


def _tc_dense(emb3, wT, bT):
    R = 16
    grid = _RB // R

    def mm(emb_ref, w_ref, b_ref, out_ref):
        x = emb_ref[...].reshape(_K, R * 128)
        acc = lax.dot_general(
            w_ref[...], x, (((1,), (0,)), ((), ())),
            preferred_element_type=jnp.float32,
        )
        out_ref[...] = acc + b_ref[...]

    return pl.pallas_call(
        mm,
        grid=(grid,),
        in_specs=[
            pl.BlockSpec((_K, R, 128), lambda i: (0, i, 0)),
            pl.BlockSpec((_O, _K), lambda i: (0, 0)),
            pl.BlockSpec((_O, 1), lambda i: (0, 0)),
        ],
        out_specs=pl.BlockSpec((_O, R * 128), lambda i: (0, i)),
        out_shape=jax.ShapeDtypeStruct((_O, _B), jnp.float32),
    )(emb3, wT, bT)


def kernel(inputs, tables, W, b):
    tabT = jnp.transpose(tables, (0, 2, 1))
    idx1 = inputs.reshape(_NT * _B)
    emb3 = _sc_stripe_gather(tabT, idx1)
    outT = _tc_dense(emb3, W.T, b.reshape(_O, 1))
    return outT.T

# --- scband reference (transcript-rebuilt; emitter-appended) ---
"""Pipeline reference for scband-embedding-list-model-2516850835594 (READ-ONLY COPY).

The authoritative reference and input builder live on the scoring server;
editing this copy changes nothing except your own understanding.
"""

import jax, jax.numpy as jnp
import numpy as np

NUM_TABLES = 26
VOCAB = 100000
EMBED_DIM = 32
BATCH = 16384
DENSE_OUT = 5


def setup_inputs(seed: int = 0) -> dict:
    key = jax.random.key(seed)
    k1, k2, k3 = jax.random.split(key, 3)
    # inputs: [26, 16384] int indices, one row per sparse field/table
    inputs = jax.random.randint(k1, (NUM_TABLES, BATCH), 0, VOCAB, dtype=jnp.int32)
    # stacked embedding tables, one per field: [26, 100000, 32]
    tables = jax.random.normal(k2, (NUM_TABLES, VOCAB, EMBED_DIM), dtype=jnp.float32) * 0.05
    # dense layer params: concat dim = 26*32 = 832 -> 5
    W = jax.random.normal(k3, (NUM_TABLES * EMBED_DIM, DENSE_OUT), dtype=jnp.float32) * 0.05
    b = jnp.zeros((DENSE_OUT,), dtype=jnp.float32)
    return {"inputs": inputs, "tables": tables, "W": W, "b": b}


def reference(inputs, tables, W, b):
    # per-table gather: outs[i] = tables[i][inputs[i]]  -> [26, B, 32]
    emb = jax.vmap(lambda t, idx: jnp.take(t, idx, axis=0))(tables, inputs)
    # tf.concat(outs, 1): [B, 26*32]
    out = jnp.transpose(emb, (1, 0, 2)).reshape(inputs.shape[1], NUM_TABLES * EMBED_DIM)
    # dense layer
    return out @ W + b

if __name__ == "__main__":
    import jax
    _d = setup_inputs()
    print(jax.jit(kernel)(*tuple(_d.values())))

</pallas_src>

<mosaic_0001>
#map = affine_map<(d0, d1) -> (0, 0, 0)>
#map1 = affine_map<(d0, d1) -> (0)>
module attributes {stable_mosaic.version = 14 : i64} {
  func.func @k(%arg0: i32, %arg1: i32, %arg2: memref<26x32x100000xf32, #tpu.memory_space<hbm>>, %arg3: memref<425984xi32, #tpu.memory_space<hbm>>, %arg4: memref<832x128x128xf32, #tpu.memory_space<hbm>>, %arg5: memref<100000xf32, #tpu.memory_space<vmem>>, %arg6: memref<8192xi32, #tpu.memory_space<vmem>>, %arg7: memref<8192xi32, #tpu.memory_space<vmem>>, %arg8: memref<32x128xf32, #tpu.memory_space<vmem>>, %arg9: memref<32x128xf32, #tpu.memory_space<vmem>>, %arg10: memref<!tpu.dma_semaphore, #tpu.memory_space<semaphore_mem>>, %arg11: memref<!tpu.dma_semaphore, #tpu.memory_space<semaphore_mem>>, %arg12: memref<!tpu.dma_semaphore, #tpu.memory_space<semaphore_mem>>) attributes {dimension_semantics = [#tpu.dimension_semantics<core_parallel>, #tpu.dimension_semantics<subcore_parallel>], iteration_bounds = array<i64: 2, 16>, scalar_prefetch = 0 : i64, scratch_operands = 8 : i64, tpu.core_type = #tpu.core_type<sc_vector_subcore>, window_params = [{transform_indices = #map}, {transform_indices = #map1}, {transform_indices = #map}]} {
    %mul3A = arith.constant 2 : i32
    %mul3A_0 = arith.muli %arg1, %mul3A : i32
    %add3A = arith.addi %mul3A_0, %arg0 : i32
    %scan3A = arith.constant 0 : i32
    %scan3A_1 = arith.constant 0 : i32
    %scan3A_2 = arith.constant 26 : i32
    %scan3A_3 = arith.addi %scan3A_1, %scan3A_2 : i32
    %scan3A_4 = arith.constant 1 : i32
    %scan3A_5 = scf.for %scan3A_24 = %scan3A_1 to %scan3A_3 step %scan3A_4 iter_args(%scan3A_25 = %scan3A) -> (i32)  : i32 {
      %dma_start3A = arith.constant 0 : i32
      %dma_start3A_26 = tpu.memref_slice %arg2[%scan3A_24, %add3A, %dma_start3A] : memref<26x32x100000xf32, #tpu.memory_space<hbm>> -> memref<1x1x100000xf32, #tpu.memory_space<hbm>>
      %dma_start3A_27 = tpu.memref_squeeze %dma_start3A_26 : memref<1x1x100000xf32, #tpu.memory_space<hbm>> -> memref<100000xf32, #tpu.memory_space<hbm>>
      %dma_start3A_28 = arith.constant 0 : i32
      %dma_start3A_29 = tpu.memref_slice %arg2[%scan3A_24, %add3A, %dma_start3A_28] : memref<26x32x100000xf32, #tpu.memory_space<hbm>> -> memref<1x1x100000xf32, #tpu.memory_space<hbm>>
      %dma_start3A_30 = tpu.memref_squeeze %dma_start3A_29 : memref<1x1x100000xf32, #tpu.memory_space<hbm>> -> memref<100000xf32, #tpu.memory_space<hbm>>
      tpu.enqueue_dma source(%dma_start3A_30 : memref<100000xf32, #tpu.memory_space<hbm>>) target(%arg5 : memref<100000xf32, #tpu.memory_space<vmem>>) target_semaphore(%arg10 : memref<!tpu.dma_semaphore, #tpu.memory_space<semaphore_mem>>)
      %mul3A_31 = arith.constant 16384 : i32
      %mul3A_32 = arith.muli %scan3A_24, %mul3A_31 : i32
      %dma_start3A_33 = tpu.memref_slice %arg3[%mul3A_32] : memref<425984xi32, #tpu.memory_space<hbm>> -> memref<8192xi32, #tpu.memory_space<hbm>>
      %dma_start3A_34 = tpu.memref_slice %arg3[%mul3A_32] : memref<425984xi32, #tpu.memory_space<hbm>> -> memref<8192xi32, #tpu.memory_space<hbm>>
      tpu.enqueue_dma source(%dma_start3A_34 : memref<8192xi32, #tpu.memory_space<hbm>>) target(%arg6 : memref<8192xi32, #tpu.memory_space<vmem>>) target_semaphore(%arg11 : memref<!tpu.dma_semaphore, #tpu.memory_space<semaphore_mem>>)
      %mul3A_35 = arith.constant 16384 : i32
      %mul3A_36 = arith.muli %scan3A_24, %mul3A_35 : i32
      %add3A_37 = arith.constant 8192 : i32
      %add3A_38 = arith.addi %mul3A_36, %add3A_37 : i32
      %dma_start3A_39 = tpu.memref_slice %arg3[%add3A_38] : memref<425984xi32, #tpu.memory_space<hbm>> -> memref<8192xi32, #tpu.memory_space<hbm>>
      %dma_start3A_40 = tpu.memref_slice %arg3[%add3A_38] : memref<425984xi32, #tpu.memory_space<hbm>> -> memref<8192xi32, #tpu.memory_space<hbm>>
      tpu.enqueue_dma source(%dma_start3A_40 : memref<8192xi32, #tpu.memory_space<hbm>>) target(%arg7 : memref<8192xi32, #tpu.memory_space<vmem>>) target_semaphore(%arg11 : memref<!tpu.dma_semaphore, #tpu.memory_space<semaphore_mem>>)
      %gt3A = arith.constant 0 : i32
      %gt3A_41 = arith.cmpi sgt, %scan3A_24, %gt3A : i32
      %convert_element_type3A = arith.extui %gt3A_41 : i1 to i32
      %cond3A = arith.constant 0 : i32
      %cond3A_42 = arith.cmpi ne, %convert_element_type3A, %cond3A : i32
      scf.if %cond3A_42 {
        %dma_wait3A_142 = arith.constant 0 : i32
        %dma_wait3A_143 = arith.constant 0 : i32
        %dma_wait3A_144 = arith.constant 0 : i32
        %dma_wait3A_145 = tpu.memref_slice %arg4[%dma_wait3A_142, %dma_wait3A_143, %dma_wait3A_144] : memref<832x128x128xf32, #tpu.memory_space<hbm>> -> memref<1x32x128xf32, #tpu.memory_space<hbm>>
        %dma_wait3A_146 = tpu.memref_squeeze %dma_wait3A_145 : memref<1x32x128xf32, #tpu.memory_space<hbm>> -> memref<32x128xf32, #tpu.memory_space<hbm>>
        %dma_wait3A_147 = arith.constant 0 : i32
        %dma_wait3A_148 = arith.constant 0 : i32
        %dma_wait3A_149 = tpu.memref_slice %arg4[%dma_wait3A_142, %dma_wait3A_147, %dma_wait3A_148] : memref<832x128x128xf32, #tpu.memory_space<hbm>> -> memref<1x32x128xf32, #tpu.memory_space<hbm>>
        %dma_wait3A_150 = tpu.memref_squeeze %dma_wait3A_149 : memref<1x32x128xf32, #tpu.memory_space<hbm>> -> memref<32x128xf32, #tpu.memory_space<hbm>>
        tpu.wait_dma2 semaphore(%arg12 : memref<!tpu.dma_semaphore, #tpu.memory_space<semaphore_mem>>) src(%dma_wait3A_150 : memref<32x128xf32, #tpu.memory_space<hbm>>) dst(%arg8 : memref<32x128xf32, #tpu.memory_space<vmem>>)
        %dma_wait3A_151 = arith.constant 0 : i32
        %dma_wait3A_152 = arith.constant 0 : i32
        %dma_wait3A_153 = arith.constant 0 : i32
        %dma_wait3A_154 = tpu.memref_slice %arg4[%dma_wait3A_151, %dma_wait3A_152, %dma_wait3A_153] : memref<832x128x128xf32, #tpu.memory_space<hbm>> -> memref<1x32x128xf32, #tpu.memory_space<hbm>>
        %dma_wait3A_155 = tpu.memref_squeeze %dma_wait3A_154 : memref<1x32x128xf32, #tpu.memory_space<hbm>> -> memref<32x128xf32, #tpu.memory_space<hbm>>
        %dma_wait3A_156 = arith.constant 0 : i32
        %dma_wait3A_157 = arith.constant 0 : i32
        %dma_wait3A_158 = tpu.memref_slice %arg4[%dma_wait3A_151, %dma_wait3A_156, %dma_wait3A_157] : memref<832x128x128xf32, #tpu.memory_space<hbm>> -> memref<1x32x128xf32, #tpu.memory_space<hbm>>
        %dma_wait3A_159 = tpu.memref_squeeze %dma_wait3A_158 : memref<1x32x128xf32, #tpu.memory_space<hbm>> -> memref<32x128xf32, #tpu.memory_space<hbm>>
        tpu.wait_dma2 semaphore(%arg12 : memref<!tpu.dma_semaphore, #tpu.memory_space<semaphore_mem>>) src(%dma_wait3A_159 : memref<32x128xf32, #tpu.memory_space<hbm>>) dst(%arg8 : memref<32x128xf32, #tpu.memory_space<vmem>>)
      } else {
      }
      %dma_wait3A_43 = arith.constant 0 : i32
      %dma_wait3A_44 = tpu.memref_slice %arg2[%scan3A_24, %add3A, %dma_wait3A_43] : memref<26x32x100000xf32, #tpu.memory_space<hbm>> -> memref<1x1x100000xf32, #tpu.memory_space<hbm>>
      %dma_wait3A_45 = tpu.memref_squeeze %dma_wait3A_44 : memref<1x1x100000xf32, #tpu.memory_space<hbm>> -> memref<100000xf32, #tpu.memory_space<hbm>>
      %dma_wait3A_46 = arith.constant 0 : i32
      %dma_wait3A_47 = tpu.memref_slice %arg2[%scan3A_24, %add3A, %dma_wait3A_46] : memref<26x32x100000xf32, #tpu.memory_space<hbm>> -> memref<1x1x100000xf32, #tpu.memory_space<hbm>>
      %dma_wait3A_48 = tpu.memref_squeeze %dma_wait3A_47 : memref<1x1x100000xf32, #tpu.memory_space<hbm>> -> memref<100000xf32, #tpu.memory_space<hbm>>
      tpu.wait_dma2 semaphore(%arg10 : memref<!tpu.dma_semaphore, #tpu.memory_space<semaphore_mem>>) src(%dma_wait3A_48 : memref<100000xf32, #tpu.memory_space<hbm>>) dst(%arg5 : memref<100000xf32, #tpu.memory_space<vmem>>)
      %dma_wait3A_49 = tpu.memref_slice %arg3[%mul3A_32] : memref<425984xi32, #tpu.memory_space<hbm>> -> memref<8192xi32, #tpu.memory_space<hbm>>
      %dma_wait3A_50 = tpu.memref_slice %arg3[%mul3A_32] : memref<425984xi32, #tpu.memory_space<hbm>> -> memref<8192xi32, #tpu.memory_space<hbm>>
      tpu.wait_dma2 semaphore(%arg11 : memref<!tpu.dma_semaphore, #tpu.memory_space<semaphore_mem>>) src(%dma_wait3A_50 : memref<8192xi32, #tpu.memory_space<hbm>>) dst(%arg6 : memref<8192xi32, #tpu.memory_space<vmem>>)
      %scan3A_51 = arith.constant 0 : i32
      %scan3A_52 = arith.constant 0 : i32
      %scan3A_53 = arith.constant 16 : i32
      %scan3A_54 = arith.addi %scan3A_52, %scan3A_53 : i32
      %scan3A_55 = arith.constant 1 : i32
      %scan3A_56 = scf.for %scan3A_142 = %scan3A_52 to %scan3A_54 step %scan3A_55 iter_args(%scan3A_143 = %scan3A_51) -> (i32)  : i32 {
        %mul3A_144 = arith.constant 256 : i32
        %mul3A_145 = arith.muli %scan3A_142, %mul3A_144 : i32
        %add3A_146 = arith.constant 0 : i32
        %add3A_147 = arith.addi %add3A_146, %mul3A_145 : i32
        %add3A_148 = arith.constant 0 : i32
        %add3A_149 = arith.addi %add3A_147, %add3A_148 : i32
        %get3A = arith.index_cast %add3A_149 : i32 to index
        %get3A_150 = tpu.vector_load %arg6[%get3A] {strides = array<i32>} : memref<8192xi32, #tpu.memory_space<vmem>>, vector<16xi32>,
        %gather3A = tpu.vector_load_idx %arg5[%get3A_150] : memref<100000xf32, #tpu.memory_space<vmem>>[vector<16xi32>], vector<16xf32>,
        %mul3A_151 = arith.constant 2 : i32
        %mul3A_152 = arith.muli %scan3A_142, %mul3A_151 : i32
        %add3A_153 = arith.constant 0 : i32
        %add3A_154 = arith.addi %mul3A_152, %add3A_153 : i32
        %swap3A = arith.index_cast %add3A_154 : i32 to index
        %swap3A_155 = arith.constant 0 : index
        %swap3A_156 = tpu.vector_load %arg8[%swap3A, %swap3A_155] {strides = array<i32>} : memref<32x128xf32, #tpu.memory_space<vmem>>, vector<16xf32>,
        tpu.vector_store %arg8[%swap3A, %swap3A_155], %gather3A {strides = array<i32>} : memref<32x128xf32, #tpu.memory_space<vmem>>, vector<16xf32>,
        %mul3A_157 = arith.constant 256 : i32
        %mul3A_158 = arith.muli %scan3A_142, %mul3A_157 : i32
        %add3A_159 = arith.constant 0 : i32
        %add3A_160 = arith.addi %add3A_159, %mul3A_158 : i32
        %add3A_161 = arith.constant 16 : i32
        %add3A_162 = arith.addi %add3A_160, %add3A_161 : i32
        %get3A_163 = arith.index_cast %add3A_162 : i32 to index
        %get3A_164 = tpu.vector_load %arg6[%get3A_163] {strides = array<i32>} : memref<8192xi32, #tpu.memory_space<vmem>>, vector<16xi32>,
        %gather3A_165 = tpu.vector_load_idx %arg5[%get3A_164] : memref<100000xf32, #tpu.memory_space<vmem>>[vector<16xi32>], vector<16xf32>,
        %mul3A_166 = arith.constant 2 : i32
        %mul3A_167 = arith.muli %scan3A_142, %mul3A_166 : i32
        %add3A_168 = arith.constant 0 : i32
        %add3A_169 = arith.addi %mul3A_167, %add3A_168 : i32
        %swap3A_170 = arith.index_cast %add3A_169 : i32 to index
        %swap3A_171 = arith.constant 16 : index
        %swap3A_172 = tpu.vector_load %arg8[%swap3A_170, %swap3A_171] {strides = array<i32>} : memref<32x128xf32, #tpu.memory_space<vmem>>, vector<16xf32>,
        tpu.vector_store %arg8[%swap3A_170, %swap3A_171], %gather3A_165 {strides = array<i32>} : memref<32x128xf32, #tpu.memory_space<vmem>>, vector<16xf32>,
        %mul3A_173 = arith.constant 256 : i32
        %mul3A_174 = arith.muli %scan3A_142, %mul3A_173 : i32
        %add3A_175 = arith.constant 0 : i32
        %add3A_176 = arith.addi %add3A_175, %mul3A_174 : i32
        %add3A_177 = arith.constant 32 : i32
        %add3A_178 = arith.addi %add3A_176, %add3A_177 : i32
        %get3A_179 = arith.index_cast %add3A_178 : i32 to index
        %get3A_180 = tpu.vector_load %arg6[%get3A_179] {strides = array<i32>} : memref<8192xi32, #tpu.memory_space<vmem>>, vector<16xi32>,
        %gather3A_181 = tpu.vector_load_idx %arg5[%get3A_180] : memref<100000xf32, #tpu.memory_space<vmem>>[vector<16xi32>], vector<16xf32>,
        %mul3A_182 = arith.constant 2 : i32
        %mul3A_183 = arith.muli %scan3A_142, %mul3A_182 : i32
        %add3A_184 = arith.constant 0 : i32
        %add3A_185 = arith.addi %mul3A_183, %add3A_184 : i32
        %swap3A_186 = arith.index_cast %add3A_185 : i32 to index
        %swap3A_187 = arith.constant 32 : index
        %swap3A_188 = tpu.vector_load %arg8[%swap3A_186, %swap3A_187] {strides = array<i32>} : memref<32x128xf32, #tpu.memory_space<vmem>>, vector<16xf32>,
        tpu.vector_store %arg8[%swap3A_186, %swap3A_187], %gather3A_181 {strides = array<i32>} : memref<32x128xf32, #tpu.memory_space<vmem>>, vector<16xf32>,
        %mul3A_189 = arith.constant 256 : i32
        %mul3A_190 = arith.muli %scan3A_142, %mul3A_189 : i32
        %add3A_191 = arith.constant 0 : i32
        %add3A_192 = arith.addi %add3A_191, %mul3A_190 : i32
        %add3A_193 = arith.constant 48 : i32
        %add3A_194 = arith.addi %add3A_192, %add3A_193 : i32
        %get3A_195 = arith.index_cast %add3A_194 : i32 to index
        %get3A_196 = tpu.vector_load %arg6[%get3A_195] {strides = array<i32>} : memref<8192xi32, #tpu.memory_space<vmem>>, vector<16xi32>,
        %gather3A_197 = tpu.vector_load_idx %arg5[%get3A_196] : memref<100000xf32, #tpu.memory_space<vmem>>[vector<16xi32>], vector<16xf32>,
        %mul3A_198 = arith.constant 2 : i32
        %mul3A_199 = arith.muli %scan3A_142, %mul3A_198 : i32
        %add3A_200 = arith.constant 0 : i32
        %add3A_201 = arith.addi %mul3A_199, %add3A_200 : i32
        %swap3A_202 = arith.index_cast %add3A_201 : i32 to index
        %swap3A_203 = arith.constant 48 : index
        %swap3A_204 = tpu.vector_load %arg8[%swap3A_202, %swap3A_203] {strides = array<i32>} : memref<32x128xf32, #tpu.memory_space<vmem>>, vector<16xf32>,
        tpu.vector_store %arg8[%swap3A_202, %swap3A_203], %gather3A_197 {strides = array<i32>} : memref<32x128xf32, #tpu.memory_space<vmem>>, vector<16xf32>,
        %mul3A_205 = arith.constant 256 : i32
        %mul3A_206 = arith.muli %scan3A_142, %mul3A_205 : i32
        %add3A_207 = arith.constant 0 : i32
        %add3A_208 = arith.addi %add3A_207, %mul3A_206 : i32
        %add3A_209 = arith.constant 64 : i32
        %add3A_210 = arith.addi %add3A_208, %add3A_209 : i32
        %get3A_211 = arith.index_cast %add3A_210 : i32 to index
        %get3A_212 = tpu.vector_load %arg6[%get3A_211] {strides = array<i32>} : memref<8192xi32, #tpu.memory_space<vmem>>, vector<16xi32>,
        %gather3A_213 = tpu.vector_load_idx %arg5[%get3A_212] : memref<100000xf32, #tpu.memory_space<vmem>>[vector<16xi32>], vector<16xf32>,
        %mul3A_214 = arith.constant 2 : i32
        %mul3A_215 = arith.muli %scan3A_142, %mul3A_214 : i32
        %add3A_216 = arith.constant 0 : i32
        %add3A_217 = arith.addi %mul3A_215, %add3A_216 : i32
        %swap3A_218 = arith.index_cast %add3A_217 : i32 to index
        %swap3A_219 = arith.constant 64 : index
        %swap3A_220 = tpu.vector_load %arg8[%swap3A_218, %swap3A_219] {strides = array<i32>} : memref<32x128xf32, #tpu.memory_space<vmem>>, vector<16xf32>,
        tpu.vector_store %arg8[%swap3A_218, %swap3A_219], %gather3A_213 {strides = array<i32>} : memref<32x128xf32, #tpu.memory_space<vmem>>, vector<16xf32>,
        %mul3A_221 = arith.constant 256 : i32
        %mul3A_222 = arith.muli %scan3A_142, %mul3A_221 : i32
        %add3A_223 = arith.constant 0 : i32
        %add3A_224 = arith.addi %add3A_223, %mul3A_222 : i32
        %add3A_225 = arith.constant 80 : i32
        %add3A_226 = arith.addi %add3A_224, %add3A_225 : i32
        %get3A_227 = arith.index_cast %add3A_226 : i32 to index
        %get3A_228 = tpu.vector_load %arg6[%get3A_227] {strides = array<i32>} : memref<8192xi32, #tpu.memory_space<vmem>>, vector<16xi32>,
        %gather3A_229 = tpu.vector_load_idx %arg5[%get3A_228] : memref<100000xf32, #tpu.memory_space<vmem>>[vector<16xi32>], vector<16xf32>,
        %mul3A_230 = arith.constant 2 : i32
        %mul3A_231 = arith.muli %scan3A_142, %mul3A_230 : i32
        %add3A_232 = arith.constant 0 : i32
        %add3A_233 = arith.addi %mul3A_231, %add3A_232 : i32
        %swap3A_234 = arith.index_cast %add3A_233 : i32 to index
        %swap3A_235 = arith.constant 80 : index
        %swap3A_236 = tpu.vector_load %arg8[%swap3A_234, %swap3A_235] {strides = array<i32>} : memref<32x128xf32, #tpu.memory_space<vmem>>, vector<16xf32>,
        tpu.vector_store %arg8[%swap3A_234, %swap3A_235], %gather3A_229 {strides = array<i32>} : memref<32x128xf32, #tpu.memory_space<vmem>>, vector<16xf32>,
        %mul3A_237 = arith.constant 256 : i32
        %mul3A_238 = arith.muli %scan3A_142, %mul3A_237 : i32
        %add3A_239 = arith.constant 0 : i32
        %add3A_240 = arith.addi %add3A_239, %mul3A_238 : i32
        %add3A_241 = arith.constant 96 : i32
        %add3A_242 = arith.addi %add3A_240, %add3A_241 : i32
        %get3A_243 = arith.index_cast %add3A_242 : i32 to index
        %get3A_244 = tpu.vector_load %arg6[%get3A_243] {strides = array<i32>} : memref<8192xi32, #tpu.memory_space<vmem>>, vector<16xi32>,
        %gather3A_245 = tpu.vector_load_idx %arg5[%get3A_244] : memref<100000xf32, #tpu.memory_space<vmem>>[vector<16xi32>], vector<16xf32>,
        %mul3A_246 = arith.constant 2 : i32
        %mul3A_247 = arith.muli %scan3A_142, %mul3A_246 : i32
        %add3A_248 = arith.constant 0 : i32
        %add3A_249 = arith.addi %mul3A_247, %add3A_248 : i32
        %swap3A_250 = arith.index_cast %add3A_249 : i32 to index
        %swap3A_251 = arith.constant 96 : index
        %swap3A_252 = tpu.vector_load %arg8[%swap3A_250, %swap3A_251] {strides = array<i32>} : memref<32x128xf32, #tpu.memory_space<vmem>>, vector<16xf32>,
        tpu.vector_store %arg8[%swap3A_250, %swap3A_251], %gather3A_245 {strides = array<i32>} : memref<32x128xf32, #tpu.memory_space<vmem>>, vector<16xf32>,
        %mul3A_253 = arith.constant 256 : i32
        %mul3A_254 = arith.muli %scan3A_142, %mul3A_253 : i32
        %add3A_255 = arith.constant 0 : i32
        %add3A_256 = arith.addi %add3A_255, %mul3A_254 : i32
        %add3A_257 = arith.constant 112 : i32
        %add3A_258 = arith.addi %add3A_256, %add3A_257 : i32
        %get3A_259 = arith.index_cast %add3A_258 : i32 to index
        %get3A_260 = tpu.vector_load %arg6[%get3A_259] {strides = array<i32>} : memref<8192xi32, #tpu.memory_space<vmem>>, vector<16xi32>,
        %gather3A_261 = tpu.vector_load_idx %arg5[%get3A_260] : memref<100000xf32, #tpu.memory_space<vmem>>[vector<16xi32>], vector<16xf32>,
        %mul3A_262 = arith.constant 2 : i32
        %mul3A_263 = arith.muli %scan3A_142, %mul3A_262 : i32
        %add3A_264 = arith.constant 0 : i32
        %add3A_265 = arith.addi %mul3A_263, %add3A_264 : i32
        %swap3A_266 = arith.index_cast %add3A_265 : i32 to index
        %swap3A_267 = arith.constant 112 : index
        %swap3A_268 = tpu.vector_load %arg8[%swap3A_266, %swap3A_267] {strides = array<i32>} : memref<32x128xf32, #tpu.memory_space<vmem>>, vector<16xf32>,
        tpu.vector_store %arg8[%swap3A_266, %swap3A_267], %gather3A_261 {strides = array<i32>} : memref<32x128xf32, #tpu.memory_space<vmem>>, vector<16xf32>,
        %mul3A_269 = arith.constant 256 : i32
        %mul3A_270 = arith.muli %scan3A_142, %mul3A_269 : i32
        %add3A_271 = arith.constant 0 : i32
        %add3A_272 = arith.addi %add3A_271, %mul3A_270 : i32
        %add3A_273 = arith.constant 128 : i32
        %add3A_274 = arith.addi %add3A_272, %add3A_273 : i32
        %get3A_275 = arith.index_cast %add3A_274 : i32 to index
        %get3A_276 = tpu.vector_load %arg6[%get3A_275] {strides = array<i32>} : memref<8192xi32, #tpu.memory_space<vmem>>, vector<16xi32>,
        %gather3A_277 = tpu.vector_load_idx %arg5[%get3A_276] : memref<100000xf32, #tpu.memory_space<vmem>>[vector<16xi32>], vector<16xf32>,
        %mul3A_278 = arith.constant 2 : i32
        %mul3A_279 = arith.muli %scan3A_142, %mul3A_278 : i32
        %add3A_280 = arith.constant 1 : i32
        %add3A_281 = arith.addi %mul3A_279, %add3A_280 : i32
        %swap3A_282 = arith.index_cast %add3A_281 : i32 to index
        %swap3A_283 = arith.constant 0 : index
        %swap3A_284 = tpu.vector_load %arg8[%swap3A_282, %swap3A_283] {strides = array<i32>} : memref<32x128xf32, #tpu.memory_space<vmem>>, vector<16xf32>,
        tpu.vector_store %arg8[%swap3A_282, %swap3A_283], %gather3A_277 {strides = array<i32>} : memref<32x128xf32, #tpu.memory_space<vmem>>, vector<16xf32>,
        %mul3A_285 = arith.constant 256 : i32
        %mul3A_286 = arith.muli %scan3A_142, %mul3A_285 : i32
        %add3A_287 = arith.constant 0 : i32
        %add3A_288 = arith.addi %add3A_287, %mul3A_286 : i32
        %add3A_289 = arith.constant 144 : i32
        %add3A_290 = arith.addi %add3A_288, %add3A_289 : i32
        %get3A_291 = arith.index_cast %add3A_290 : i32 to index
        %get3A_292 = tpu.vector_load %arg6[%get3A_291] {strides = array<i32>} : memref<8192xi32, #tpu.memory_space<vmem>>, vector<16xi32>,
        %gather3A_293 = tpu.vector_load_idx %arg5[%get3A_292] : memref<100000xf32, #tpu.memory_space<vmem>>[vector<16xi32>], vector<16xf32>,
        %mul3A_294 = arith.constant 2 : i32
        %mul3A_295 = arith.muli %scan3A_142, %mul3A_294 : i32
        %add3A_296 = arith.constant 1 : i32
        %add3A_297 = arith.addi %mul3A_295, %add3A_296 : i32
        %swap3A_298 = arith.index_cast %add3A_297 : i32 to index
        %swap3A_299 = arith.constant 16 : index
        %swap3A_300 = tpu.vector_load %arg8[%swap3A_298, %swap3A_299] {strides = array<i32>} : memref<32x128xf32, #tpu.memory_space<vmem>>, vector<16xf32>,
        tpu.vector_store %arg8[%swap3A_298, %swap3A_299], %gather3A_293 {strides = array<i32>} : memref<32x128xf32, #tpu.memory_space<vmem>>, vector<16xf32>,
        %mul3A_301 = arith.constant 256 : i32
        %mul3A_302 = arith.muli %scan3A_142, %mul3A_301 : i32
        %add3A_303 = arith.constant 0 : i32
        %add3A_304 = arith.addi %add3A_303, %mul3A_302 : i32
        %add3A_305 = arith.constant 160 : i32
        %add3A_306 = arith.addi %add3A_304, %add3A_305 : i32
        %get3A_307 = arith.index_cast %add3A_306 : i32 to index
        %get3A_308 = tpu.vector_load %arg6[%get3A_307] {strides = array<i32>} : memref<8192xi32, #tpu.memory_space<vmem>>, vector<16xi32>,
        %gather3A_309 = tpu.vector_load_idx %arg5[%get3A_308] : memref<100000xf32, #tpu.memory_space<vmem>>[vector<16xi32>], vector<16xf32>,
        %mul3A_310 = arith.constant 2 : i32
        %mul3A_311 = arith.muli %scan3A_142, %mul3A_310 : i32
        %add3A_312 = arith.constant 1 : i32
        %add3A_313 = arith.addi %mul3A_311, %add3A_312 : i32
        %swap3A_314 = arith.index_cast %add3A_313 : i32 to index
        %swap3A_315 = arith.constant 32 : index
        %swap3A_316 = tpu.vector_load %arg8[%swap3A_314, %swap3A_315] {strides = array<i32>} : memref<32x128xf32, #tpu.memory_space<vmem>>, vector<16xf32>,
        tpu.vector_store %arg8[%swap3A_314, %swap3A_315], %gather3A_309 {strides = array<i32>} : memref<32x128xf32, #tpu.memory_space<vmem>>, vector<16xf32>,
        %mul3A_317 = arith.constant 256 : i32
        %mul3A_318 = arith.muli %scan3A_142, %mul3A_317 : i32
        %add3A_319 = arith.constant 0 : i32
        %add3A_320 = arith.addi %add3A_319, %mul3A_318 : i32
        %add3A_321 = arith.constant 176 : i32
        %add3A_322 = arith.addi %add3A_320, %add3A_321 : i32
        %get3A_323 = arith.index_cast %add3A_322 : i32 to index
        %get3A_324 = tpu.vector_load %arg6[%get3A_323] {strides = array<i32>} : memref<8192xi32, #tpu.memory_space<vmem>>, vector<16xi32>,
        %gather3A_325 = tpu.vector_load_idx %arg5[%get3A_324] : memref<100000xf32, #tpu.memory_space<vmem>>[vector<16xi32>], vector<16xf32>,
        %mul3A_326 = arith.constant 2 : i32
        %mul3A_327 = arith.muli %scan3A_142, %mul3A_326 : i32
        %add3A_328 = arith.constant 1 : i32
        %add3A_329 = arith.addi %mul3A_327, %add3A_328 : i32
        %swap3A_330 = arith.index_cast %add3A_329 : i32 to index
        %swap3A_331 = arith.constant 48 : index
        %swap3A_332 = tpu.vector_load %arg8[%swap3A_330, %swap3A_331] {strides = array<i32>} : memref<32x128xf32, #tpu.memory_space<vmem>>, vector<16xf32>,
        tpu.vector_store %arg8[%swap3A_330, %swap3A_331], %gather3A_325 {strides = array<i32>} : memref<32x128xf32, #tpu.memory_space<vmem>>, vector<16xf32>,
        %mul3A_333 = arith.constant 256 : i32
        %mul3A_334 = arith.muli %scan3A_142, %mul3A_333 : i32
        %add3A_335 = arith.constant 0 : i32
        %add3A_336 = arith.addi %add3A_335, %mul3A_334 : i32
        %add3A_337 = arith.constant 192 : i32
        %add3A_338 = arith.addi %add3A_336, %add3A_337 : i32
        %get3A_339 = arith.index_cast %add3A_338 : i32 to index
        %get3A_340 = tpu.vector_load %arg6[%get3A_339] {strides = array<i32>} : memref<8192xi32, #tpu.memory_space<vmem>>, vector<16xi32>,
        %gather3A_341 = tpu.vector_load_idx %arg5[%get3A_340] : memref<100000xf32, #tpu.memory_space<vmem>>[vector<16xi32>], vector<16xf32>,
        %mul3A_342 = arith.constant 2 : i32
        %mul3A_343 = arith.muli %scan3A_142, %mul3A_342 : i32
        %add3A_344 = arith.constant 1 : i32
        %add3A_345 = arith.addi %mul3A_343, %add3A_344 : i32
        %swap3A_346 = arith.index_cast %add3A_345 : i32 to index
        %swap3A_347 = arith.constant 64 : index
        %swap3A_348 = tpu.vector_load %arg8[%swap3A_346, %swap3A_347] {strides = array<i32>} : memref<32x128xf32, #tpu.memory_space<vmem>>, vector<16xf32>,
        tpu.vector_store %arg8[%swap3A_346, %swap3A_347], %gather3A_341 {strides = array<i32>} : memref<32x128xf32, #tpu.memory_space<vmem>>, vector<16xf32>,
        %mul3A_349 = arith.constant 256 : i32
        %mul3A_350 = arith.muli %scan3A_142, %mul3A_349 : i32
        %add3A_351 = arith.constant 0 : i32
        %add3A_352 = arith.addi %add3A_351, %mul3A_350 : i32
        %add3A_353 = arith.constant 208 : i32
        %add3A_354 = arith.addi %add3A_352, %add3A_353 : i32
        %get3A_355 = arith.index_cast %add3A_354 : i32 to index
        %get3A_356 = tpu.vector_load %arg6[%get3A_355] {strides = array<i32>} : memref<8192xi32, #tpu.memory_space<vmem>>, vector<16xi32>,
        %gather3A_357 = tpu.vector_load_idx %arg5[%get3A_356] : memref<100000xf32, #tpu.memory_space<vmem>>[vector<16xi32>], vector<16xf32>,
        %mul3A_358 = arith.constant 2 : i32
        %mul3A_359 = arith.muli %scan3A_142, %mul3A_358 : i32
        %add3A_360 = arith.constant 1 : i32
        %add3A_361 = arith.addi %mul3A_359, %add3A_360 : i32
        %swap3A_362 = arith.index_cast %add3A_361 : i32 to index
        %swap3A_363 = arith.constant 80 : index
        %swap3A_364 = tpu.vector_load %arg8[%swap3A_362, %swap3A_363] {strides = array<i32>} : memref<32x128xf32, #tpu.memory_space<vmem>>, vector<16xf32>,
        tpu.vector_store %arg8[%swap3A_362, %swap3A_363], %gather3A_357 {strides = array<i32>} : memref<32x128xf32, #tpu.memory_space<vmem>>, vector<16xf32>,
        %mul3A_365 = arith.constant 256 : i32
        %mul3A_366 = arith.muli %scan3A_142, %mul3A_365 : i32
        %add3A_367 = arith.constant 0 : i32
        %add3A_368 = arith.addi %add3A_367, %mul3A_366 : i32
        %add3A_369 = arith.constant 224 : i32
        %add3A_370 = arith.addi %add3A_368, %add3A_369 : i32
        %get3A_371 = arith.index_cast %add3A_370 : i32 to index
        %get3A_372 = tpu.vector_load %arg6[%get3A_371] {strides = array<i32>} : memref<8192xi32, #tpu.memory_space<vmem>>, vector<16xi32>,
        %gather3A_373 = tpu.vector_load_idx %arg5[%get3A_372] : memref<100000xf32, #tpu.memory_space<vmem>>[vector<16xi32>], vector<16xf32>,
        %mul3A_374 = arith.constant 2 : i32
        %mul3A_375 = arith.muli %scan3A_142, %mul3A_374 : i32
        %add3A_376 = arith.constant 1 : i32
        %add3A_377 = arith.addi %mul3A_375, %add3A_376 : i32
        %swap3A_378 = arith.index_cast %add3A_377 : i32 to index
        %swap3A_379 = arith.constant 96 : index
        %swap3A_380 = tpu.vector_load %arg8[%swap3A_378, %swap3A_379] {strides = array<i32>} : memref<32x128xf32, #tpu.memory_space<vmem>>, vector<16xf32>,
        tpu.vector_store %arg8[%swap3A_378, %swap3A_379], %gather3A_373 {strides = array<i32>} : memref<32x128xf32, #tpu.memory_space<vmem>>, vector<16xf32>,
        %mul3A_381 = arith.constant 256 : i32
        %mul3A_382 = arith.muli %scan3A_142, %mul3A_381 : i32
        %add3A_383 = arith.constant 0 : i32
        %add3A_384 = arith.addi %add3A_383, %mul3A_382 : i32
        %add3A_385 = arith.constant 240 : i32
        %add3A_386 = arith.addi %add3A_384, %add3A_385 : i32
        %get3A_387 = arith.index_cast %add3A_386 : i32 to index
        %get3A_388 = tpu.vector_load %arg6[%get3A_387] {strides = array<i32>} : memref<8192xi32, #tpu.memory_space<vmem>>, vector<16xi32>,
        %gather3A_389 = tpu.vector_load_idx %arg5[%get3A_388] : memref<100000xf32, #tpu.memory_space<vmem>>[vector<16xi32>], vector<16xf32>,
        %mul3A_390 = arith.constant 2 : i32
        %mul3A_391 = arith.muli %scan3A_142, %mul3A_390 : i32
        %add3A_392 = arith.constant 1 : i32
        %add3A_393 = arith.addi %mul3A_391, %add3A_392 : i32
        %swap3A_394 = arith.index_cast %add3A_393 : i32 to index
        %swap3A_395 = arith.constant 112 : index
        %swap3A_396 = tpu.vector_load %arg8[%swap3A_394, %swap3A_395] {strides = array<i32>} : memref<32x128xf32, #tpu.memory_space<vmem>>, vector<16xf32>,
        tpu.vector_store %arg8[%swap3A_394, %swap3A_395], %gather3A_389 {strides = array<i32>} : memref<32x128xf32, #tpu.memory_space<vmem>>, vector<16xf32>,
        %scan3A_397 = arith.constant 0 : i32
        scf.yield %scan3A_397 : i32
      }
      %scan3A_57 = arith.constant 16 : i32
      %mul3A_58 = arith.constant 32 : i32
      %mul3A_59 = arith.muli %scan3A_24, %mul3A_58 : i32
      %add3A_60 = arith.addi %mul3A_59, %add3A : i32
      %dma_start3A_61 = arith.constant 0 : i32
      %dma_start3A_62 = arith.constant 0 : i32
      %dma_start3A_63 = tpu.memref_slice %arg4[%add3A_60, %dma_start3A_61, %dma_start3A_62] : memref<832x128x128xf32, #tpu.memory_space<hbm>> -> memref<1x32x128xf32, #tpu.memory_space<hbm>>
      %dma_start3A_64 = tpu.memref_squeeze %dma_start3A_63 : memref<1x32x128xf32, #tpu.memory_space<hbm>> -> memref<32x128xf32, #tpu.memory_space<hbm>>
      %dma_start3A_65 = arith.constant 0 : i32
      %dma_start3A_66 = arith.constant 0 : i32
      %dma_start3A_67 = tpu.memref_slice %arg4[%add3A_60, %dma_start3A_65, %dma_start3A_66] : memref<832x128x128xf32, #tpu.memory_space<hbm>> -> memref<1x32x128xf32, #tpu.memory_space<hbm>>
      %dma_start3A_68 = tpu.memref_squeeze %dma_start3A_67 : memref<1x32x128xf32, #tpu.memory_space<hbm>> -> memref<32x128xf32, #tpu.memory_space<hbm>>
      tpu.enqueue_dma source(%arg8 : memref<32x128xf32, #tpu.memory_space<vmem>>) target(%dma_start3A_68 : memref<32x128xf32, #tpu.memory_space<hbm>>) target_semaphore(%arg12 : memref<!tpu.dma_semaphore, #tpu.memory_space<semaphore_mem>>)
      %scan3A_69 = arith.constant 0 : i32
      %scan3A_70 = arith.constant 0 : i32
      %scan3A_71 = arith.constant 16 : i32
      %scan3A_72 = arith.addi %scan3A_70, %scan3A_71 : i32
      %scan3A_73 = arith.constant 1 : i32
      %scan3A_74 = scf.for %scan3A_142 = %scan3A_70 to %scan3A_72 step %scan3A_73 iter_args(%scan3A_143 = %scan3A_69) -> (i32)  : i32 {
        %mul3A_144 = arith.constant 256 : i32
        %mul3A_145 = arith.muli %scan3A_142, %mul3A_144 : i32
        %add3A_146 = arith.constant 4096 : i32
        %add3A_147 = arith.addi %add3A_146, %mul3A_145 : i32
        %add3A_148 = arith.constant 0 : i32
        %add3A_149 = arith.addi %add3A_147, %add3A_148 : i32
        %get3A = arith.index_cast %add3A_149 : i32 to index
        %get3A_150 = tpu.vector_load %arg6[%get3A] {strides = array<i32>} : memref<8192xi32, #tpu.memory_space<vmem>>, vector<16xi32>,
        %gather3A = tpu.vector_load_idx %arg5[%get3A_150] : memref<100000xf32, #tpu.memory_space<vmem>>[vector<16xi32>], vector<16xf32>,
        %mul3A_151 = arith.constant 2 : i32
        %mul3A_152 = arith.muli %scan3A_142, %mul3A_151 : i32
        %add3A_153 = arith.constant 0 : i32
        %add3A_154 = arith.addi %mul3A_152, %add3A_153 : i32
        %swap3A = arith.index_cast %add3A_154 : i32 to index
        %swap3A_155 = arith.constant 0 : index
        %swap3A_156 = tpu.vector_load %arg9[%swap3A, %swap3A_155] {strides = array<i32>} : memref<32x128xf32, #tpu.memory_space<vmem>>, vector<16xf32>,
        tpu.vector_store %arg9[%swap3A, %swap3A_155], %gather3A {strides = array<i32>} : memref<32x128xf32, #tpu.memory_space<vmem>>, vector<16xf32>,
        %mul3A_157 = arith.constant 256 : i32
        %mul3A_158 = arith.muli %scan3A_142, %mul3A_157 : i32
        %add3A_159 = arith.constant 4096 : i32
        %add3A_160 = arith.addi %add3A_159, %mul3A_158 : i32
        %add3A_161 = arith.constant 16 : i32
        %add3A_162 = arith.addi %add3A_160, %add3A_161 : i32
        %get3A_163 = arith.index_cast %add3A_162 : i32 to index
        %get3A_164 = tpu.vector_load %arg6[%get3A_163] {strides = array<i32>} : memref<8192xi32, #tpu.memory_space<vmem>>, vector<16xi32>,
        %gather3A_165 = tpu.vector_load_idx %arg5[%get3A_164] : memref<100000xf32, #tpu.memory_space<vmem>>[vector<16xi32>], vector<16xf32>,
        %mul3A_166 = arith.constant 2 : i32
        %mul3A_167 = arith.muli %scan3A_142, %mul3A_166 : i32
        %add3A_168 = arith.constant 0 : i32
        %add3A_169 = arith.addi %mul3A_167, %add3A_168 : i32
        %swap3A_170 = arith.index_cast %add3A_169 : i32 to index
        %swap3A_171 = arith.constant 16 : index
        %swap3A_172 = tpu.vector_load %arg9[%swap3A_170, %swap3A_171] {strides = array<i32>} : memref<32x128xf32, #tpu.memory_space<vmem>>, vector<16xf32>,
        tpu.vector_store %arg9[%swap3A_170, %swap3A_171], %gather3A_165 {strides = array<i32>} : memref<32x128xf32, #tpu.memory_space<vmem>>, vector<16xf32>,
        %mul3A_173 = arith.constant 256 : i32
        %mul3A_174 = arith.muli %scan3A_142, %mul3A_173 : i32
        %add3A_175 = arith.constant 4096 : i32
        %add3A_176 = arith.addi %add3A_175, %mul3A_174 : i32
        %add3A_177 = arith.constant 32 : i32
        %add3A_178 = arith.addi %add3A_176, %add3A_177 : i32
        %get3A_179 = arith.index_cast %add3A_178 : i32 to index
        %get3A_180 = tpu.vector_load %arg6[%get3A_179] {strides = array<i32>} : memref<8192xi32, #tpu.memory_space<vmem>>, vector<16xi32>,
        %gather3A_181 = tpu.vector_load_idx %arg5[%get3A_180] : memref<100000xf32, #tpu.memory_space<vmem>>[vector<16xi32>], vector<16xf32>,
        %mul3A_182 = arith.constant 2 : i32
        %mul3A_183 = arith.muli %scan3A_142, %mul3A_182 : i32
        %add3A_184 = arith.constant 0 : i32
        %add3A_185 = arith.addi %mul3A_183, %add3A_184 : i32
        %swap3A_186 = arith.index_cast %add3A_185 : i32 to index
        %swap3A_187 = arith.constant 32 : index
        %swap3A_188 = tpu.vector_load %arg9[%swap3A_186, %swap3A_187] {strides = array<i32>} : memref<32x128xf32, #tpu.memory_space<vmem>>, vector<16xf32>,
        tpu.vector_store %arg9[%swap3A_186, %swap3A_187], %gather3A_181 {strides = array<i32>} : memref<32x128xf32, #tpu.memory_space<vmem>>, vector<16xf32>,
        %mul3A_189 = arith.constant 256 : i32
        %mul3A_190 = arith.muli %scan3A_142, %mul3A_189 : i32
        %add3A_191 = arith.constant 4096 : i32
        %add3A_192 = arith.addi %add3A_191, %mul3A_190 : i32
        %add3A_193 = arith.constant 48 : i32
        %add3A_194 = arith.addi %add3A_192, %add3A_193 : i32
        %get3A_195 = arith.index_cast %add3A_194 : i32 to index
        %get3A_196 = tpu.vector_load %arg6[%get3A_195] {strides = array<i32>} : memref<8192xi32, #tpu.memory_space<vmem>>, vector<16xi32>,
        %gather3A_197 = tpu.vector_load_idx %arg5[%get3A_196] : memref<100000xf32, #tpu.memory_space<vmem>>[vector<16xi32>], vector<16xf32>,
        %mul3A_198 = arith.constant 2 : i32
        %mul3A_199 = arith.muli %scan3A_142, %mul3A_198 : i32
        %add3A_200 = arith.constant 0 : i32
        %add3A_201 = arith.addi %mul3A_199, %add3A_200 : i32
        %swap3A_202 = arith.index_cast %add3A_201 : i32 to index
        %swap3A_203 = arith.constant 48 : index
        %swap3A_204 = tpu.vector_load %arg9[%swap3A_202, %swap3A_203] {strides = array<i32>} : memref<32x128xf32, #tpu.memory_space<vmem>>, vector<16xf32>,
        tpu.vector_store %arg9[%swap3A_202, %swap3A_203], %gather3A_197 {strides = array<i32>} : memref<32x128xf32, #tpu.memory_space<vmem>>, vector<16xf32>,
        %mul3A_205 = arith.constant 256 : i32
        %mul3A_206 = arith.muli %scan3A_142, %mul3A_205 : i32
        %add3A_207 = arith.constant 4096 : i32
        %add3A_208 = arith.addi %add3A_207, %mul3A_206 : i32
        %add3A_209 = arith.constant 64 : i32
        %add3A_210 = arith.addi %add3A_208, %add3A_209 : i32
        %get3A_211 = arith.index_cast %add3A_210 : i32 to index
        %get3A_212 = tpu.vector_load %arg6[%get3A_211] {strides = array<i32>} : memref<8192xi32, #tpu.memory_space<vmem>>, vector<16xi32>,
        %gather3A_213 = tpu.vector_load_idx %arg5[%get3A_212] : memref<100000xf32, #tpu.memory_space<vmem>>[vector<16xi32>], vector<16xf32>,
        %mul3A_214 = arith.constant 2 : i32
        %mul3A_215 = arith.muli %scan3A_142, %mul3A_214 : i32
        %add3A_216 = arith.constant 0 : i32
        %add3A_217 = arith.addi %mul3A_215, %add3A_216 : i32
        %swap3A_218 = arith.index_cast %add3A_217 : i32 to index
        %swap3A_219 = arith.constant 64 : index
        %swap3A_220 = tpu.vector_load %arg9[%swap3A_218, %swap3A_219] {strides = array<i32>} : memref<32x128xf32, #tpu.memory_space<vmem>>, vector<16xf32>,
        tpu.vector_store %arg9[%swap3A_218, %swap3A_219], %gather3A_213 {strides = array<i32>} : memref<32x128xf32, #tpu.memory_space<vmem>>, vector<16xf32>,
        %mul3A_221 = arith.constant 256 : i32
        %mul3A_222 = arith.muli %scan3A_142, %mul3A_221 : i32
        %add3A_223 = arith.constant 4096 : i32
        %add3A_224 = arith.addi %add3A_223, %mul3A_222 : i32
        %add3A_225 = arith.constant 80 : i32
        %add3A_226 = arith.addi %add3A_224, %add3A_225 : i32
        %get3A_227 = arith.index_cast %add3A_226 : i32 to index
        %get3A_228 = tpu.vector_load %arg6[%get3A_227] {strides = array<i32>} : memref<8192xi32, #tpu.memory_space<vmem>>, vector<16xi32>,
        %gather3A_229 = tpu.vector_load_idx %arg5[%get3A_228] : memref<100000xf32, #tpu.memory_space<vmem>>[vector<16xi32>], vector<16xf32>,
        %mul3A_230 = arith.constant 2 : i32
        %mul3A_231 = arith.muli %scan3A_142, %mul3A_230 : i32
        %add3A_232 = arith.constant 0 : i32
        %add3A_233 = arith.addi %mul3A_231, %add3A_232 : i32
        %swap3A_234 = arith.index_cast %add3A_233 : i32 to index
        %swap3A_235 = arith.constant 80 : index
        %swap3A_236 = tpu.vector_load %arg9[%swap3A_234, %swap3A_235] {strides = array<i32>} : memref<32x128xf32, #tpu.memory_space<vmem>>, vector<16xf32>,
        tpu.vector_store %arg9[%swap3A_234, %swap3A_235], %gather3A_229 {strides = array<i32>} : memref<32x128xf32, #tpu.memory_space<vmem>>, vector<16xf32>,
        %mul3A_237 = arith.constant 256 : i32
        %mul3A_238 = arith.muli %scan3A_142, %mul3A_237 : i32
        %add3A_239 = arith.constant 4096 : i32
        %add3A_240 = arith.addi %add3A_239, %mul3A_238 : i32
        %add3A_241 = arith.constant 96 : i32
        %add3A_242 = arith.addi %add3A_240, %add3A_241 : i32
        %get3A_243 = arith.index_cast %add3A_242 : i32 to index
        %get3A_244 = tpu.vector_load %arg6[%get3A_243] {strides = array<i32>} : memref<8192xi32, #tpu.memory_space<vmem>>, vector<16xi32>,
        %gather3A_245 = tpu.vector_load_idx %arg5[%get3A_244] : memref<100000xf32, #tpu.memory_space<vmem>>[vector<16xi32>], vector<16xf32>,
        %mul3A_246 = arith.constant 2 : i32
        %mul3A_247 = arith.muli %scan3A_142, %mul3A_246 : i32
        %add3A_248 = arith.constant 0 : i32
        %add3A_249 = arith.addi %mul3A_247, %add3A_248 : i32
        %swap3A_250 = arith.index_cast %add3A_249 : i32 to index
        %swap3A_251 = arith.constant 96 : index
        %swap3A_252 = tpu.vector_load %arg9[%swap3A_250, %swap3A_251] {strides = array<i32>} : memref<32x128xf32, #tpu.memory_space<vmem>>, vector<16xf32>,
        tpu.vector_store %arg9[%swap3A_250, %swap3A_251], %gather3A_245 {strides = array<i32>} : memref<32x128xf32, #tpu.memory_space<vmem>>, vector<16xf32>,
        %mul3A_253 = arith.constant 256 : i32
        %mul3A_254 = arith.muli %scan3A_142, %mul3A_253 : i32
        %add3A_255 = arith.constant 4096 : i32
        %add3A_256 = arith.addi %add3A_255, %mul3A_254 : i32
        %add3A_257 = arith.constant 112 : i32
        %add3A_258 = arith.addi %add3A_256, %add3A_257 : i32
        %get3A_259 = arith.index_cast %add3A_258 : i32 to index
        %get3A_260 = tpu.vector_load %arg6[%get3A_259] {strides = array<i32>} : memref<8192xi32, #tpu.memory_space<vmem>>, vector<16xi32>,
        %gather3A_261 = tpu.vector_load_idx %arg5[%get3A_260] : memref<100000xf32, #tpu.memory_space<vmem>>[vector<16xi32>], vector<16xf32>,
        %mul3A_262 = arith.constant 2 : i32
        %mul3A_263 = arith.muli %scan3A_142, %mul3A_262 : i32
        %add3A_264 = arith.constant 0 : i32
        %add3A_265 = arith.addi %mul3A_263, %add3A_264 : i32
        %swap3A_266 = arith.index_cast %add3A_265 : i32 to index
        %swap3A_267 = arith.constant 112 : index
        %swap3A_268 = tpu.vector_load %arg9[%swap3A_266, %swap3A_267] {strides = array<i32>} : memref<32x128xf32, #tpu.memory_space<vmem>>, vector<16xf32>,
        tpu.vector_store %arg9[%swap3A_266, %swap3A_267], %gather3A_261 {strides = array<i32>} : memref<32x128xf32, #tpu.memory_space<vmem>>, vector<16xf32>,
        %mul3A_269 = arith.constant 256 : i32
        %mul3A_270 = arith.muli %scan3A_142, %mul3A_269 : i32
        %add3A_271 = arith.constant 4096 : i32
        %add3A_272 = arith.addi %add3A_271, %mul3A_270 : i32
        %add3A_273 = arith.constant 128 : i32
        %add3A_274 = arith.addi %add3A_272, %add3A_273 : i32
        %get3A_275 = arith.index_cast %add3A_274 : i32 to index
        %get3A_276 = tpu.vector_load %arg6[%get3A_275] {strides = array<i32>} : memref<8192xi32, #tpu.memory_space<vmem>>, vector<16xi32>,
        %gather3A_277 = tpu.vector_load_idx %arg5[%get3A_276] : memref<100000xf32, #tpu.memory_space<vmem>>[vector<16xi32>], vector<16xf32>,
        %mul3A_278 = arith.constant 2 : i32
        %mul3A_279 = arith.muli %scan3A_142, %mul3A_278 : i32
        %add3A_280 = arith.constant 1 : i32
        %add3A_281 = arith.addi %mul3A_279, %add3A_280 : i32
        %swap3A_282 = arith.index_cast %add3A_281 : i32 to index
        %swap3A_283 = arith.constant 0 : index
        %swap3A_284 = tpu.vector_load %arg9[%swap3A_282, %swap3A_283] {strides = array<i32>} : memref<32x128xf32, #tpu.memory_space<vmem>>, vector<16xf32>,
        tpu.vector_store %arg9[%swap3A_282, %swap3A_283], %gather3A_277 {strides = array<i32>} : memref<32x128xf32, #tpu.memory_space<vmem>>, vector<16xf32>,
        %mul3A_285 = arith.constant 256 : i32
        %mul3A_286 = arith.muli %scan3A_142, %mul3A_285 : i32
        %add3A_287 = arith.constant 4096 : i32
        %add3A_288 = arith.addi %add3A_287, %mul3A_286 : i32
        %add3A_289 = arith.constant 144 : i32
        %add3A_290 = arith.addi %add3A_288, %add3A_289 : i32
        %get3A_291 = arith.index_cast %add3A_290 : i32 to index
        %get3A_292 = tpu.vector_load %arg6[%get3A_291] {strides = array<i32>} : memref<8192xi32, #tpu.memory_space<vmem>>, vector<16xi32>,
        %gather3A_293 = tpu.vector_load_idx %arg5[%get3A_292] : memref<100000xf32, #tpu.memory_space<vmem>>[vector<16xi32>], vector<16xf32>,
        %mul3A_294 = arith.constant 2 : i32
        %mul3A_295 = arith.muli %scan3A_142, %mul3A_294 : i32
        %add3A_296 = arith.constant 1 : i32
        %add3A_297 = arith.addi %mul3A_295, %add3A_296 : i32
        %swap3A_298 = arith.index_cast %add3A_297 : i32 to index
        %swap3A_299 = arith.constant 16 : index
        %swap3A_300 = tpu.vector_load %arg9[%swap3A_298, %swap3A_299] {strides = array<i32>} : memref<32x128xf32, #tpu.memory_space<vmem>>, vector<16xf32>,
        tpu.vector_store %arg9[%swap3A_298, %swap3A_299], %gather3A_293 {strides = array<i32>} : memref<32x128xf32, #tpu.memory_space<vmem>>, vector<16xf32>,
        %mul3A_301 = arith.constant 256 : i32
        %mul3A_302 = arith.muli %scan3A_142, %mul3A_301 : i32
        %add3A_303 = arith.constant 4096 : i32
        %add3A_304 = arith.addi %add3A_303, %mul3A_302 : i32
        %add3A_305 = arith.constant 160 : i32
        %add3A_306 = arith.addi %add3A_304, %add3A_305 : i32
        %get3A_307 = arith.index_cast %add3A_306 : i32 to index
        %get3A_308 = tpu.vector_load %arg6[%get3A_307] {strides = array<i32>} : memref<8192xi32, #tpu.memory_space<vmem>>, vector<16xi32>,
        %gather3A_309 = tpu.vector_load_idx %arg5[%get3A_308] : memref<100000xf32, #tpu.memory_space<vmem>>[vector<16xi32>], vector<16xf32>,
        %mul3A_310 = arith.constant 2 : i32
        %mul3A_311 = arith.muli %scan3A_142, %mul3A_310 : i32
        %add3A_312 = arith.constant 1 : i32
        %add3A_313 = arith.addi %mul3A_311, %add3A_312 : i32
        %swap3A_314 = arith.index_cast %add3A_313 : i32 to index
        %swap3A_315 = arith.constant 32 : index
        %swap3A_316 = tpu.vector_load %arg9[%swap3A_314, %swap3A_315] {strides = array<i32>} : memref<32x128xf32, #tpu.memory_space<vmem>>, vector<16xf32>,
        tpu.vector_store %arg9[%swap3A_314, %swap3A_315], %gather3A_309 {strides = array<i32>} : memref<32x128xf32, #tpu.memory_space<vmem>>, vector<16xf32>,
        %mul3A_317 = arith.constant 256 : i32
        %mul3A_318 = arith.muli %scan3A_142, %mul3A_317 : i32
        %add3A_319 = arith.constant 4096 : i32
        %add3A_320 = arith.addi %add3A_319, %mul3A_318 : i32
        %add3A_321 = arith.constant 176 : i32
        %add3A_322 = arith.addi %add3A_320, %add3A_321 : i32
        %get3A_323 = arith.index_cast %add3A_322 : i32 to index
        %get3A_324 = tpu.vector_load %arg6[%get3A_323] {strides = array<i32>} : memref<8192xi32, #tpu.memory_space<vmem>>, vector<16xi32>,
        %gather3A_325 = tpu.vector_load_idx %arg5[%get3A_324] : memref<100000xf32, #tpu.memory_space<vmem>>[vector<16xi32>], vector<16xf32>,
        %mul3A_326 = arith.constant 2 : i32
        %mul3A_327 = arith.muli %scan3A_142, %mul3A_326 : i32
        %add3A_328 = arith.constant 1 : i32
        %add3A_329 = arith.addi %mul3A_327, %add3A_328 : i32
        %swap3A_330 = arith.index_cast %add3A_329 : i32 to index
        %swap3A_331 = arith.constant 48 : index
        %swap3A_332 = tpu.vector_load %arg9[%swap3A_330, %swap3A_331] {strides = array<i32>} : memref<32x128xf32, #tpu.memory_space<vmem>>, vector<16xf32>,
        tpu.vector_store %arg9[%swap3A_330, %swap3A_331], %gather3A_325 {strides = array<i32>} : memref<32x128xf32, #tpu.memory_space<vmem>>, vector<16xf32>,
        %mul3A_333 = arith.constant 256 : i32
        %mul3A_334 = arith.muli %scan3A_142, %mul3A_333 : i32
        %add3A_335 = arith.constant 4096 : i32
        %add3A_336 = arith.addi %add3A_335, %mul3A_334 : i32
        %add3A_337 = arith.constant 192 : i32
        %add3A_338 = arith.addi %add3A_336, %add3A_337 : i32
        %get3A_339 = arith.index_cast %add3A_338 : i32 to index
        %get3A_340 = tpu.vector_load %arg6[%get3A_339] {strides = array<i32>} : memref<8192xi32, #tpu.memory_space<vmem>>, vector<16xi32>,
        %gather3A_341 = tpu.vector_load_idx %arg5[%get3A_340] : memref<100000xf32, #tpu.memory_space<vmem>>[vector<16xi32>], vector<16xf32>,
        %mul3A_342 = arith.constant 2 : i32
        %mul3A_343 = arith.muli %scan3A_142, %mul3A_342 : i32
        %add3A_344 = arith.constant 1 : i32
        %add3A_345 = arith.addi %mul3A_343, %add3A_344 : i32
        %swap3A_346 = arith.index_cast %add3A_345 : i32 to index
        %swap3A_347 = arith.constant 64 : index
        %swap3A_348 = tpu.vector_load %arg9[%swap3A_346, %swap3A_347] {strides = array<i32>} : memref<32x128xf32, #tpu.memory_space<vmem>>, vector<16xf32>,
        tpu.vector_store %arg9[%swap3A_346, %swap3A_347], %gather3A_341 {strides = array<i32>} : memref<32x128xf32, #tpu.memory_space<vmem>>, vector<16xf32>,
        %mul3A_349 = arith.constant 256 : i32
        %mul3A_350 = arith.muli %scan3A_142, %mul3A_349 : i32
        %add3A_351 = arith.constant 4096 : i32
        %add3A_352 = arith.addi %add3A_351, %mul3A_350 : i32
        %add3A_353 = arith.constant 208 : i32
        %add3A_354 = arith.addi %add3A_352, %add3A_353 : i32
        %get3A_355 = arith.index_cast %add3A_354 : i32 to index
        %get3A_356 = tpu.vector_load %arg6[%get3A_355] {strides = array<i32>} : memref<8192xi32, #tpu.memory_space<vmem>>, vector<16xi32>,
        %gather3A_357 = tpu.vector_load_idx %arg5[%get3A_356] : memref<100000xf32, #tpu.memory_space<vmem>>[vector<16xi32>], vector<16xf32>,
        %mul3A_358 = arith.constant 2 : i32
        %mul3A_359 = arith.muli %scan3A_142, %mul3A_358 : i32
        %add3A_360 = arith.constant 1 : i32
        %add3A_361 = arith.addi %mul3A_359, %add3A_360 : i32
        %swap3A_362 = arith.index_cast %add3A_361 : i32 to index
        %swap3A_363 = arith.constant 80 : index
        %swap3A_364 = tpu.vector_load %arg9[%swap3A_362, %swap3A_363] {strides = array<i32>} : memref<32x128xf32, #tpu.memory_space<vmem>>, vector<16xf32>,
        tpu.vector_store %arg9[%swap3A_362, %swap3A_363], %gather3A_357 {strides = array<i32>} : memref<32x128xf32, #tpu.memory_space<vmem>>, vector<16xf32>,
        %mul3A_365 = arith.constant 256 : i32
        %mul3A_366 = arith.muli %scan3A_142, %mul3A_365 : i32
        %add3A_367 = arith.constant 4096 : i32
        %add3A_368 = arith.addi %add3A_367, %mul3A_366 : i32
        %add3A_369 = arith.constant 224 : i32
        %add3A_370 = arith.addi %add3A_368, %add3A_369 : i32
        %get3A_371 = arith.index_cast %add3A_370 : i32 to index
        %get3A_372 = tpu.vector_load %arg6[%get3A_371] {strides = array<i32>} : memref<8192xi32, #tpu.memory_space<vmem>>, vector<16xi32>,
        %gather3A_373 = tpu.vector_load_idx %arg5[%get3A_372] : memref<100000xf32, #tpu.memory_space<vmem>>[vector<16xi32>], vector<16xf32>,
        %mul3A_374 = arith.constant 2 : i32
        %mul3A_375 = arith.muli %scan3A_142, %mul3A_374 : i32
        %add3A_376 = arith.constant 1 : i32
        %add3A_377 = arith.addi %mul3A_375, %add3A_376 : i32
        %swap3A_378 = arith.index_cast %add3A_377 : i32 to index
        %swap3A_379 = arith.constant 96 : index
        %swap3A_380 = tpu.vector_load %arg9[%swap3A_378, %swap3A_379] {strides = array<i32>} : memref<32x128xf32, #tpu.memory_space<vmem>>, vector<16xf32>,
        tpu.vector_store %arg9[%swap3A_378, %swap3A_379], %gather3A_373 {strides = array<i32>} : memref<32x128xf32, #tpu.memory_space<vmem>>, vector<16xf32>,
        %mul3A_381 = arith.constant 256 : i32
        %mul3A_382 = arith.muli %scan3A_142, %mul3A_381 : i32
        %add3A_383 = arith.constant 4096 : i32
        %add3A_384 = arith.addi %add3A_383, %mul3A_382 : i32
        %add3A_385 = arith.constant 240 : i32
        %add3A_386 = arith.addi %add3A_384, %add3A_385 : i32
        %get3A_387 = arith.index_cast %add3A_386 : i32 to index
        %get3A_388 = tpu.vector_load %arg6[%get3A_387] {strides = array<i32>} : memref<8192xi32, #tpu.memory_space<vmem>>, vector<16xi32>,
        %gather3A_389 = tpu.vector_load_idx %arg5[%get3A_388] : memref<100000xf32, #tpu.memory_space<vmem>>[vector<16xi32>], vector<16xf32>,
        %mul3A_390 = arith.constant 2 : i32
        %mul3A_391 = arith.muli %scan3A_142, %mul3A_390 : i32
        %add3A_392 = arith.constant 1 : i32
        %add3A_393 = arith.addi %mul3A_391, %add3A_392 : i32
        %swap3A_394 = arith.index_cast %add3A_393 : i32 to index
        %swap3A_395 = arith.constant 112 : index
        %swap3A_396 = tpu.vector_load %arg9[%swap3A_394, %swap3A_395] {strides = array<i32>} : memref<32x128xf32, #tpu.memory_space<vmem>>, vector<16xf32>,
        tpu.vector_store %arg9[%swap3A_394, %swap3A_395], %gather3A_389 {strides = array<i32>} : memref<32x128xf32, #tpu.memory_space<vmem>>, vector<16xf32>,
        %scan3A_397 = arith.constant 0 : i32
        scf.yield %scan3A_397 : i32
      }
      %scan3A_75 = arith.constant 16 : i32
      %mul3A_76 = arith.constant 32 : i32
      %mul3A_77 = arith.muli %scan3A_24, %mul3A_76 : i32
      %add3A_78 = arith.addi %mul3A_77, %add3A : i32
      %dma_start3A_79 = arith.constant 32 : i32
      %dma_start3A_80 = arith.constant 0 : i32
      %dma_start3A_81 = tpu.memref_slice %arg4[%add3A_78, %dma_start3A_79, %dma_start3A_80] : memref<832x128x128xf32, #tpu.memory_space<hbm>> -> memref<1x32x128xf32, #tpu.memory_space<hbm>>
      %dma_start3A_82 = tpu.memref_squeeze %dma_start3A_81 : memref<1x32x128xf32, #tpu.memory_space<hbm>> -> memref<32x128xf32, #tpu.memory_space<hbm>>
      %dma_start3A_83 = arith.constant 32 : i32
      %dma_start3A_84 = arith.constant 0 : i32
      %dma_start3A_85 = tpu.memref_slice %arg4[%add3A_78, %dma_start3A_83, %dma_start3A_84] : memref<832x128x128xf32, #tpu.memory_space<hbm>> -> memref<1x32x128xf32, #tpu.memory_space<hbm>>
      %dma_start3A_86 = tpu.memref_squeeze %dma_start3A_85 : memref<1x32x128xf32, #tpu.memory_space<hbm>> -> memref<32x128xf32, #tpu.memory_space<hbm>>
      tpu.enqueue_dma source(%arg9 : memref<32x128xf32, #tpu.memory_space<vmem>>) target(%dma_start3A_86 : memref<32x128xf32, #tpu.memory_space<hbm>>) target_semaphore(%arg12 : memref<!tpu.dma_semaphore, #tpu.memory_space<semaphore_mem>>)
      %dma_wait3A_87 = tpu.memref_slice %arg3[%add3A_38] : memref<425984xi32, #tpu.memory_space<hbm>> -> memref<8192xi32, #tpu.memory_space<hbm>>
      %dma_wait3A_88 = tpu.memref_slice %arg3[%add3A_38] : memref<425984xi32, #tpu.memory_space<hbm>> -> memref<8192xi32, #tpu.memory_space<hbm>>
      tpu.wait_dma2 semaphore(%arg11 : memref<!tpu.dma_semaphore, #tpu.memory_space<semaphore_mem>>) src(%dma_wait3A_88 : memref<8192xi32, #tpu.memory_space<hbm>>) dst(%arg7 : memref<8192xi32, #tpu.memory_space<vmem>>)
      %dma_wait3A_89 = arith.constant 0 : i32
      %dma_wait3A_90 = arith.constant 0 : i32
      %dma_wait3A_91 = tpu.memref_slice %arg4[%add3A_60, %dma_wait3A_89, %dma_wait3A_90] : memref<832x128x128xf32, #tpu.memory_space<hbm>> -> memref<1x32x128xf32, #tpu.memory_space<hbm>>
      %dma_wait3A_92 = tpu.memref_squeeze %dma_wait3A_91 : memref<1x32x128xf32, #tpu.memory_space<hbm>> -> memref<32x128xf32, #tpu.memory_space<hbm>>
      %dma_wait3A_93 = arith.constant 0 : i32
      %dma_wait3A_94 = arith.constant 0 : i32
      %dma_wait3A_95 = tpu.memref_slice %arg4[%add3A_60, %dma_wait3A_93, %dma_wait3A_94] : memref<832x128x128xf32, #tpu.memory_space<hbm>> -> memref<1x32x128xf32, #tpu.memory_space<hbm>>
      %dma_wait3A_96 = tpu.memref_squeeze %dma_wait3A_95 : memref<1x32x128xf32, #tpu.memory_space<hbm>> -> memref<32x128xf32, #tpu.memory_space<hbm>>
      tpu.wait_dma2 semaphore(%arg12 : memref<!tpu.dma_semaphore, #tpu.memory_space<semaphore_mem>>) src(%arg8 : memref<32x128xf32, #tpu.memory_space<vmem>>) dst(%dma_wait3A_96 : memref<32x128xf32, #tpu.memory_space<hbm>>)
      %scan3A_97 = arith.constant 0 : i32
      %scan3A_98 = arith.constant 0 : i32
      %scan3A_99 = arith.constant 16 : i32
      %scan3A_100 = arith.addi %scan3A_98, %scan3A_99 : i32
      %scan3A_101 = arith.constant 1 : i32
      %scan3A_102 = scf.for %scan3A_142 = %scan3A_98 to %scan3A_100 step %scan3A_101 iter_args(%scan3A_143 = %scan3A_97) -> (i32)  : i32 {
        %mul3A_144 = arith.constant 256 : i32
        %mul3A_145 = arith.muli %scan3A_142, %mul3A_144 : i32
        %add3A_146 = arith.constant 0 : i32
        %add3A_147 = arith.addi %add3A_146, %mul3A_145 : i32
        %add3A_148 = arith.constant 0 : i32
        %add3A_149 = arith.addi %add3A_147, %add3A_148 : i32
        %get3A = arith.index_cast %add3A_149 : i32 to index
        %get3A_150 = tpu.vector_load %arg7[%get3A] {strides = array<i32>} : memref<8192xi32, #tpu.memory_space<vmem>>, vector<16xi32>,
        %gather3A = tpu.vector_load_idx %arg5[%get3A_150] : memref<100000xf32, #tpu.memory_space<vmem>>[vector<16xi32>], vector<16xf32>,
        %mul3A_151 = arith.constant 2 : i32
        %mul3A_152 = arith.muli %scan3A_142, %mul3A_151 : i32
        %add3A_153 = arith.constant 0 : i32
        %add3A_154 = arith.addi %mul3A_152, %add3A_153 : i32
        %swap3A = arith.index_cast %add3A_154 : i32 to index
        %swap3A_155 = arith.constant 0 : index
        %swap3A_156 = tpu.vector_load %arg8[%swap3A, %swap3A_155] {strides = array<i32>} : memref<32x128xf32, #tpu.memory_space<vmem>>, vector<16xf32>,
        tpu.vector_store %arg8[%swap3A, %swap3A_155], %gather3A {strides = array<i32>} : memref<32x128xf32, #tpu.memory_space<vmem>>, vector<16xf32>,
        %mul3A_157 = arith.constant 256 : i32
        %mul3A_158 = arith.muli %scan3A_142, %mul3A_157 : i32
        %add3A_159 = arith.constant 0 : i32
        %add3A_160 = arith.addi %add3A_159, %mul3A_158 : i32
        %add3A_161 = arith.constant 16 : i32
        %add3A_162 = arith.addi %add3A_160, %add3A_161 : i32
        %get3A_163 = arith.index_cast %add3A_162 : i32 to index
        %get3A_164 = tpu.vector_load %arg7[%get3A_163] {strides = array<i32>} : memref<8192xi32, #tpu.memory_space<vmem>>, vector<16xi32>,
        %gather3A_165 = tpu.vector_load_idx %arg5[%get3A_164] : memref<100000xf32, #tpu.memory_space<vmem>>[vector<16xi32>], vector<16xf32>,
        %mul3A_166 = arith.constant 2 : i32
        %mul3A_167 = arith.muli %scan3A_142, %mul3A_166 : i32
        %add3A_168 = arith.constant 0 : i32
        %add3A_169 = arith.addi %mul3A_167, %add3A_168 : i32
        %swap3A_170 = arith.index_cast %add3A_169 : i32 to index
        %swap3A_171 = arith.constant 16 : index
        %swap3A_172 = tpu.vector_load %arg8[%swap3A_170, %swap3A_171] {strides = array<i32>} : memref<32x128xf32, #tpu.memory_space<vmem>>, vector<16xf32>,
        tpu.vector_store %arg8[%swap3A_170, %swap3A_171], %gather3A_165 {strides = array<i32>} : memref<32x128xf32, #tpu.memory_space<vmem>>, vector<16xf32>,
        %mul3A_173 = arith.constant 256 : i32
        %mul3A_174 = arith.muli %scan3A_142, %mul3A_173 : i32
        %add3A_175 = arith.constant 0 : i32
        %add3A_176 = arith.addi %add3A_175, %mul3A_174 : i32
        %add3A_177 = arith.constant 32 : i32
        %add3A_178 = arith.addi %add3A_176, %add3A_177 : i32
        %get3A_179 = arith.index_cast %add3A_178 : i32 to index
        %get3A_180 = tpu.vector_load %arg7[%get3A_179] {strides = array<i32>} : memref<8192xi32, #tpu.memory_space<vmem>>, vector<16xi32>,
        %gather3A_181 = tpu.vector_load_idx %arg5[%get3A_180] : memref<100000xf32, #tpu.memory_space<vmem>>[vector<16xi32>], vector<16xf32>,
        %mul3A_182 = arith.constant 2 : i32
        %mul3A_183 = arith.muli %scan3A_142, %mul3A_182 : i32
        %add3A_184 = arith.constant 0 : i32
        %add3A_185 = arith.addi %mul3A_183, %add3A_184 : i32
        %swap3A_186 = arith.index_cast %add3A_185 : i32 to index
        %swap3A_187 = arith.constant 32 : index
        %swap3A_188 = tpu.vector_load %arg8[%swap3A_186, %swap3A_187] {strides = array<i32>} : memref<32x128xf32, #tpu.memory_space<vmem>>, vector<16xf32>,
        tpu.vector_store %arg8[%swap3A_186, %swap3A_187], %gather3A_181 {strides = array<i32>} : memref<32x128xf32, #tpu.memory_space<vmem>>, vector<16xf32>,
        %mul3A_189 = arith.constant 256 : i32
        %mul3A_190 = arith.muli %scan3A_142, %mul3A_189 : i32
        %add3A_191 = arith.constant 0 : i32
        %add3A_192 = arith.addi %add3A_191, %mul3A_190 : i32
        %add3A_193 = arith.constant 48 : i32
        %add3A_194 = arith.addi %add3A_192, %add3A_193 : i32
        %get3A_195 = arith.index_cast %add3A_194 : i32 to index
        %get3A_196 = tpu.vector_load %arg7[%get3A_195] {strides = array<i32>} : memref<8192xi32, #tpu.memory_space<vmem>>, vector<16xi32>,
        %gather3A_197 = tpu.vector_load_idx %arg5[%get3A_196] : memref<100000xf32, #tpu.memory_space<vmem>>[vector<16xi32>], vector<16xf32>,
        %mul3A_198 = arith.constant 2 : i32
        %mul3A_199 = arith.muli %scan3A_142, %mul3A_198 : i32
        %add3A_200 = arith.constant 0 : i32
        %add3A_201 = arith.addi %mul3A_199, %add3A_200 : i32
        %swap3A_202 = arith.index_cast %add3A_201 : i32 to index
        %swap3A_203 = arith.constant 48 : index
        %swap3A_204 = tpu.vector_load %arg8[%swap3A_202, %swap3A_203] {strides = array<i32>} : memref<32x128xf32, #tpu.memory_space<vmem>>, vector<16xf32>,
        tpu.vector_store %arg8[%swap3A_202, %swap3A_203], %gather3A_197 {strides = array<i32>} : memref<32x128xf32, #tpu.memory_space<vmem>>, vector<16xf32>,
        %mul3A_205 = arith.constant 256 : i32
        %mul3A_206 = arith.muli %scan3A_142, %mul3A_205 : i32
        %add3A_207 = arith.constant 0 : i32
        %add3A_208 = arith.addi %add3A_207, %mul3A_206 : i32
        %add3A_209 = arith.constant 64 : i32
        %add3A_210 = arith.addi %add3A_208, %add3A_209 : i32
        %get3A_211 = arith.index_cast %add3A_210 : i32 to index
        %get3A_212 = tpu.vector_load %arg7[%get3A_211] {strides = array<i32>} : memref<8192xi32, #tpu.memory_space<vmem>>, vector<16xi32>,
        %gather3A_213 = tpu.vector_load_idx %arg5[%get3A_212] : memref<100000xf32, #tpu.memory_space<vmem>>[vector<16xi32>], vector<16xf32>,
        %mul3A_214 = arith.constant 2 : i32
        %mul3A_215 = arith.muli %scan3A_142, %mul3A_214 : i32
        %add3A_216 = arith.constant 0 : i32
        %add3A_217 = arith.addi %mul3A_215, %add3A_216 : i32
        %swap3A_218 = arith.index_cast %add3A_217 : i32 to index
        %swap3A_219 = arith.constant 64 : index
        %swap3A_220 = tpu.vector_load %arg8[%swap3A_218, %swap3A_219] {strides = array<i32>} : memref<32x128xf32, #tpu.memory_space<vmem>>, vector<16xf32>,
        tpu.vector_store %arg8[%swap3A_218, %swap3A_219], %gather3A_213 {strides = array<i32>} : memref<32x128xf32, #tpu.memory_space<vmem>>, vector<16xf32>,
        %mul3A_221 = arith.constant 256 : i32
        %mul3A_222 = arith.muli %scan3A_142, %mul3A_221 : i32
        %add3A_223 = arith.constant 0 : i32
        %add3A_224 = arith.addi %add3A_223, %mul3A_222 : i32
        %add3A_225 = arith.constant 80 : i32
        %add3A_226 = arith.addi %add3A_224, %add3A_225 : i32
        %get3A_227 = arith.index_cast %add3A_226 : i32 to index
        %get3A_228 = tpu.vector_load %arg7[%get3A_227] {strides = array<i32>} : memref<8192xi32, #tpu.memory_space<vmem>>, vector<16xi32>,
        %gather3A_229 = tpu.vector_load_idx %arg5[%get3A_228] : memref<100000xf32, #tpu.memory_space<vmem>>[vector<16xi32>], vector<16xf32>,
        %mul3A_230 = arith.constant 2 : i32
        %mul3A_231 = arith.muli %scan3A_142, %mul3A_230 : i32
        %add3A_232 = arith.constant 0 : i32
        %add3A_233 = arith.addi %mul3A_231, %add3A_232 : i32
        %swap3A_234 = arith.index_cast %add3A_233 : i32 to index
        %swap3A_235 = arith.constant 80 : index
        %swap3A_236 = tpu.vector_load %arg8[%swap3A_234, %swap3A_235] {strides = array<i32>} : memref<32x128xf32, #tpu.memory_space<vmem>>, vector<16xf32>,
        tpu.vector_store %arg8[%swap3A_234, %swap3A_235], %gather3A_229 {strides = array<i32>} : memref<32x128xf32, #tpu.memory_space<vmem>>, vector<16xf32>,
        %mul3A_237 = arith.constant 256 : i32
        %mul3A_238 = arith.muli %scan3A_142, %mul3A_237 : i32
        %add3A_239 = arith.constant 0 : i32
        %add3A_240 = arith.addi %add3A_239, %mul3A_238 : i32
        %add3A_241 = arith.constant 96 : i32
        %add3A_242 = arith.addi %add3A_240, %add3A_241 : i32
        %get3A_243 = arith.index_cast %add3A_242 : i32 to index
        %get3A_244 = tpu.vector_load %arg7[%get3A_243] {strides = array<i32>} : memref<8192xi32, #tpu.memory_space<vmem>>, vector<16xi32>,
        %gather3A_245 = tpu.vector_load_idx %arg5[%get3A_244] : memref<100000xf32, #tpu.memory_space<vmem>>[vector<16xi32>], vector<16xf32>,
        %mul3A_246 = arith.constant 2 : i32
        %mul3A_247 = arith.muli %scan3A_142, %mul3A_246 : i32
        %add3A_248 = arith.constant 0 : i32
        %add3A_249 = arith.addi %mul3A_247, %add3A_248 : i32
        %swap3A_250 = arith.index_cast %add3A_249 : i32 to index
        %swap3A_251 = arith.constant 96 : index
        %swap3A_252 = tpu.vector_load %arg8[%swap3A_250, %swap3A_251] {strides = array<i32>} : memref<32x128xf32, #tpu.memory_space<vmem>>, vector<16xf32>,
        tpu.vector_store %arg8[%swap3A_250, %swap3A_251], %gather3A_245 {strides = array<i32>} : memref<32x128xf32, #tpu.memory_space<vmem>>, vector<16xf32>,
        %mul3A_253 = arith.constant 256 : i32
        %mul3A_254 = arith.muli %scan3A_142, %mul3A_253 : i32
        %add3A_255 = arith.constant 0 : i32
        %add3A_256 = arith.addi %add3A_255, %mul3A_254 : i32
        %add3A_257 = arith.constant 112 : i32
        %add3A_258 = arith.addi %add3A_256, %add3A_257 : i32
        %get3A_259 = arith.index_cast %add3A_258 : i32 to index
        %get3A_260 = tpu.vector_load %arg7[%get3A_259] {strides = array<i32>} : memref<8192xi32, #tpu.memory_space<vmem>>, vector<16xi32>,
        %gather3A_261 = tpu.vector_load_idx %arg5[%get3A_260] : memref<100000xf32, #tpu.memory_space<vmem>>[vector<16xi32>], vector<16xf32>,
        %mul3A_262 = arith.constant 2 : i32
        %mul3A_263 = arith.muli %scan3A_142, %mul3A_262 : i32
        %add3A_264 = arith.constant 0 : i32
        %add3A_265 = arith.addi %mul3A_263, %add3A_264 : i32
        %swap3A_266 = arith.index_cast %add3A_265 : i32 to index
        %swap3A_267 = arith.constant 112 : index
        %swap3A_268 = tpu.vector_load %arg8[%swap3A_266, %swap3A_267] {strides = array<i32>} : memref<32x128xf32, #tpu.memory_space<vmem>>, vector<16xf32>,
        tpu.vector_store %arg8[%swap3A_266, %swap3A_267], %gather3A_261 {strides = array<i32>} : memref<32x128xf32, #tpu.memory_space<vmem>>, vector<16xf32>,
        %mul3A_269 = arith.constant 256 : i32
        %mul3A_270 = arith.muli %scan3A_142, %mul3A_269 : i32
        %add3A_271 = arith.constant 0 : i32
        %add3A_272 = arith.addi %add3A_271, %mul3A_270 : i32
        %add3A_273 = arith.constant 128 : i32
        %add3A_274 = arith.addi %add3A_272, %add3A_273 : i32
        %get3A_275 = arith.index_cast %add3A_274 : i32 to index
        %get3A_276 = tpu.vector_load %arg7[%get3A_275] {strides = array<i32>} : memref<8192xi32, #tpu.memory_space<vmem>>, vector<16xi32>,
        %gather3A_277 = tpu.vector_load_idx %arg5[%get3A_276] : memref<100000xf32, #tpu.memory_space<vmem>>[vector<16xi32>], vector<16xf32>,
        %mul3A_278 = arith.constant 2 : i32
        %mul3A_279 = arith.muli %scan3A_142, %mul3A_278 : i32
        %add3A_280 = arith.constant 1 : i32
        %add3A_281 = arith.addi %mul3A_279, %add3A_280 : i32
        %swap3A_282 = arith.index_cast %add3A_281 : i32 to index
        %swap3A_283 = arith.constant 0 : index
        %swap3A_284 = tpu.vector_load %arg8[%swap3A_282, %swap3A_283] {strides = array<i32>} : memref<32x128xf32, #tpu.memory_space<vmem>>, vector<16xf32>,
        tpu.vector_store %arg8[%swap3A_282, %swap3A_283], %gather3A_277 {strides = array<i32>} : memref<32x128xf32, #tpu.memory_space<vmem>>, vector<16xf32>,
        %mul3A_285 = arith.constant 256 : i32
        %mul3A_286 = arith.muli %scan3A_142, %mul3A_285 : i32
        %add3A_287 = arith.constant 0 : i32
        %add3A_288 = arith.addi %add3A_287, %mul3A_286 : i32
        %add3A_289 = arith.constant 144 : i32
        %add3A_290 = arith.addi %add3A_288, %add3A_289 : i32
        %get3A_291 = arith.index_cast %add3A_290 : i32 to index
        %get3A_292 = tpu.vector_load %arg7[%get3A_291] {strides = array<i32>} : memref<8192xi32, #tpu.memory_space<vmem>>, vector<16xi32>,
        %gather3A_293 = tpu.vector_load_idx %arg5[%get3A_292] : memref<100000xf32, #tpu.memory_space<vmem>>[vector<16xi32>], vector<16xf32>,
        %mul3A_294 = arith.constant 2 : i32
        %mul3A_295 = arith.muli %scan3A_142, %mul3A_294 : i32
        %add3A_296 = arith.constant 1 : i32
        %add3A_297 = arith.addi %mul3A_295, %add3A_296 : i32
        %swap3A_298 = arith.index_cast %add3A_297 : i32 to index
        %swap3A_299 = arith.constant 16 : index
        %swap3A_300 = tpu.vector_load %arg8[%swap3A_298, %swap3A_299] {strides = array<i32>} : memref<32x128xf32, #tpu.memory_space<vmem>>, vector<16xf32>,
        tpu.vector_store %arg8[%swap3A_298, %swap3A_299], %gather3A_293 {strides = array<i32>} : memref<32x128xf32, #tpu.memory_space<vmem>>, vector<16xf32>,
        %mul3A_301 = arith.constant 256 : i32
        %mul3A_302 = arith.muli %scan3A_142, %mul3A_301 : i32
        %add3A_303 = arith.constant 0 : i32
        %add3A_304 = arith.addi %add3A_303, %mul3A_302 : i32
        %add3A_305 = arith.constant 160 : i32
        %add3A_306 = arith.addi %add3A_304, %add3A_305 : i32
        %get3A_307 = arith.index_cast %add3A_306 : i32 to index
        %get3A_308 = tpu.vector_load %arg7[%get3A_307] {strides = array<i32>} : memref<8192xi32, #tpu.memory_space<vmem>>, vector<16xi32>,
        %gather3A_309 = tpu.vector_load_idx %arg5[%get3A_308] : memref<100000xf32, #tpu.memory_space<vmem>>[vector<16xi32>], vector<16xf32>,
        %mul3A_310 = arith.constant 2 : i32
        %mul3A_311 = arith.muli %scan3A_142, %mul3A_310 : i32
        %add3A_312 = arith.constant 1 : i32
        %add3A_313 = arith.addi %mul3A_311, %add3A_312 : i32
        %swap3A_314 = arith.index_cast %add3A_313 : i32 to index
        %swap3A_315 = arith.constant 32 : index
        %swap3A_316 = tpu.vector_load %arg8[%swap3A_314, %swap3A_315] {strides = array<i32>} : memref<32x128xf32, #tpu.memory_space<vmem>>, vector<16xf32>,
        tpu.vector_store %arg8[%swap3A_314, %swap3A_315], %gather3A_309 {strides = array<i32>} : memref<32x128xf32, #tpu.memory_space<vmem>>, vector<16xf32>,
        %mul3A_317 = arith.constant 256 : i32
        %mul3A_318 = arith.muli %scan3A_142, %mul3A_317 : i32
        %add3A_319 = arith.constant 0 : i32
        %add3A_320 = arith.addi %add3A_319, %mul3A_318 : i32
        %add3A_321 = arith.constant 176 : i32
        %add3A_322 = arith.addi %add3A_320, %add3A_321 : i32
        %get3A_323 = arith.index_cast %add3A_322 : i32 to index
        %get3A_324 = tpu.vector_load %arg7[%get3A_323] {strides = array<i32>} : memref<8192xi32, #tpu.memory_space<vmem>>, vector<16xi32>,
        %gather3A_325 = tpu.vector_load_idx %arg5[%get3A_324] : memref<100000xf32, #tpu.memory_space<vmem>>[vector<16xi32>], vector<16xf32>,
        %mul3A_326 = arith.constant 2 : i32
        %mul3A_327 = arith.muli %scan3A_142, %mul3A_326 : i32
        %add3A_328 = arith.constant 1 : i32
        %add3A_329 = arith.addi %mul3A_327, %add3A_328 : i32
        %swap3A_330 = arith.index_cast %add3A_329 : i32 to index
        %swap3A_331 = arith.constant 48 : index
        %swap3A_332 = tpu.vector_load %arg8[%swap3A_330, %swap3A_331] {strides = array<i32>} : memref<32x128xf32, #tpu.memory_space<vmem>>, vector<16xf32>,
        tpu.vector_store %arg8[%swap3A_330, %swap3A_331], %gather3A_325 {strides = array<i32>} : memref<32x128xf32, #tpu.memory_space<vmem>>, vector<16xf32>,
        %mul3A_333 = arith.constant 256 : i32
        %mul3A_334 = arith.muli %scan3A_142, %mul3A_333 : i32
        %add3A_335 = arith.constant 0 : i32
        %add3A_336 = arith.addi %add3A_335, %mul3A_334 : i32
        %add3A_337 = arith.constant 192 : i32
        %add3A_338 = arith.addi %add3A_336, %add3A_337 : i32
        %get3A_339 = arith.index_cast %add3A_338 : i32 to index
        %get3A_340 = tpu.vector_load %arg7[%get3A_339] {strides = array<i32>} : memref<8192xi32, #tpu.memory_space<vmem>>, vector<16xi32>,
        %gather3A_341 = tpu.vector_load_idx %arg5[%get3A_340] : memref<100000xf32, #tpu.memory_space<vmem>>[vector<16xi32>], vector<16xf32>,
        %mul3A_342 = arith.constant 2 : i32
        %mul3A_343 = arith.muli %scan3A_142, %mul3A_342 : i32
        %add3A_344 = arith.constant 1 : i32
        %add3A_345 = arith.addi %mul3A_343, %add3A_344 : i32
        %swap3A_346 = arith.index_cast %add3A_345 : i32 to index
        %swap3A_347 = arith.constant 64 : index
        %swap3A_348 = tpu.vector_load %arg8[%swap3A_346, %swap3A_347] {strides = array<i32>} : memref<32x128xf32, #tpu.memory_space<vmem>>, vector<16xf32>,
        tpu.vector_store %arg8[%swap3A_346, %swap3A_347], %gather3A_341 {strides = array<i32>} : memref<32x128xf32, #tpu.memory_space<vmem>>, vector<16xf32>,
        %mul3A_349 = arith.constant 256 : i32
        %mul3A_350 = arith.muli %scan3A_142, %mul3A_349 : i32
        %add3A_351 = arith.constant 0 : i32
        %add3A_352 = arith.addi %add3A_351, %mul3A_350 : i32
        %add3A_353 = arith.constant 208 : i32
        %add3A_354 = arith.addi %add3A_352, %add3A_353 : i32
        %get3A_355 = arith.index_cast %add3A_354 : i32 to index
        %get3A_356 = tpu.vector_load %arg7[%get3A_355] {strides = array<i32>} : memref<8192xi32, #tpu.memory_space<vmem>>, vector<16xi32>,
        %gather3A_357 = tpu.vector_load_idx %arg5[%get3A_356] : memref<100000xf32, #tpu.memory_space<vmem>>[vector<16xi32>], vector<16xf32>,
        %mul3A_358 = arith.constant 2 : i32
        %mul3A_359 = arith.muli %scan3A_142, %mul3A_358 : i32
        %add3A_360 = arith.constant 1 : i32
        %add3A_361 = arith.addi %mul3A_359, %add3A_360 : i32
        %swap3A_362 = arith.index_cast %add3A_361 : i32 to index
        %swap3A_363 = arith.constant 80 : index
        %swap3A_364 = tpu.vector_load %arg8[%swap3A_362, %swap3A_363] {strides = array<i32>} : memref<32x128xf32, #tpu.memory_space<vmem>>, vector<16xf32>,
        tpu.vector_store %arg8[%swap3A_362, %swap3A_363], %gather3A_357 {strides = array<i32>} : memref<32x128xf32, #tpu.memory_space<vmem>>, vector<16xf32>,
        %mul3A_365 = arith.constant 256 : i32
        %mul3A_366 = arith.muli %scan3A_142, %mul3A_365 : i32
        %add3A_367 = arith.constant 0 : i32
        %add3A_368 = arith.addi %add3A_367, %mul3A_366 : i32
        %add3A_369 = arith.constant 224 : i32
        %add3A_370 = arith.addi %add3A_368, %add3A_369 : i32
        %get3A_371 = arith.index_cast %add3A_370 : i32 to index
        %get3A_372 = tpu.vector_load %arg7[%get3A_371] {strides = array<i32>} : memref<8192xi32, #tpu.memory_space<vmem>>, vector<16xi32>,
        %gather3A_373 = tpu.vector_load_idx %arg5[%get3A_372] : memref<100000xf32, #tpu.memory_space<vmem>>[vector<16xi32>], vector<16xf32>,
        %mul3A_374 = arith.constant 2 : i32
        %mul3A_375 = arith.muli %scan3A_142, %mul3A_374 : i32
        %add3A_376 = arith.constant 1 : i32
        %add3A_377 = arith.addi %mul3A_375, %add3A_376 : i32
        %swap3A_378 = arith.index_cast %add3A_377 : i32 to index
        %swap3A_379 = arith.constant 96 : index
        %swap3A_380 = tpu.vector_load %arg8[%swap3A_378, %swap3A_379] {strides = array<i32>} : memref<32x128xf32, #tpu.memory_space<vmem>>, vector<16xf32>,
        tpu.vector_store %arg8[%swap3A_378, %swap3A_379], %gather3A_373 {strides = array<i32>} : memref<32x128xf32, #tpu.memory_space<vmem>>, vector<16xf32>,
        %mul3A_381 = arith.constant 256 : i32
        %mul3A_382 = arith.muli %scan3A_142, %mul3A_381 : i32
        %add3A_383 = arith.constant 0 : i32
        %add3A_384 = arith.addi %add3A_383, %mul3A_382 : i32
        %add3A_385 = arith.constant 240 : i32
        %add3A_386 = arith.addi %add3A_384, %add3A_385 : i32
        %get3A_387 = arith.index_cast %add3A_386 : i32 to index
        %get3A_388 = tpu.vector_load %arg7[%get3A_387] {strides = array<i32>} : memref<8192xi32, #tpu.memory_space<vmem>>, vector<16xi32>,
        %gather3A_389 = tpu.vector_load_idx %arg5[%get3A_388] : memref<100000xf32, #tpu.memory_space<vmem>>[vector<16xi32>], vector<16xf32>,
        %mul3A_390 = arith.constant 2 : i32
        %mul3A_391 = arith.muli %scan3A_142, %mul3A_390 : i32
        %add3A_392 = arith.constant 1 : i32
        %add3A_393 = arith.addi %mul3A_391, %add3A_392 : i32
        %swap3A_394 = arith.index_cast %add3A_393 : i32 to index
        %swap3A_395 = arith.constant 112 : index
        %swap3A_396 = tpu.vector_load %arg8[%swap3A_394, %swap3A_395] {strides = array<i32>} : memref<32x128xf32, #tpu.memory_space<vmem>>, vector<16xf32>,
        tpu.vector_store %arg8[%swap3A_394, %swap3A_395], %gather3A_389 {strides = array<i32>} : memref<32x128xf32, #tpu.memory_space<vmem>>, vector<16xf32>,
        %scan3A_397 = arith.constant 0 : i32
        scf.yield %scan3A_397 : i32
      }
      %scan3A_103 = arith.constant 16 : i32
      %mul3A_104 = arith.constant 32 : i32
      %mul3A_105 = arith.muli %scan3A_24, %mul3A_104 : i32
      %add3A_106 = arith.addi %mul3A_105, %add3A : i32
      %dma_start3A_107 = arith.constant 64 : i32
      %dma_start3A_108 = arith.constant 0 : i32
      %dma_start3A_109 = tpu.memref_slice %arg4[%add3A_106, %dma_start3A_107, %dma_start3A_108] : memref<832x128x128xf32, #tpu.memory_space<hbm>> -> memref<1x32x128xf32, #tpu.memory_space<hbm>>
      %dma_start3A_110 = tpu.memref_squeeze %dma_start3A_109 : memref<1x32x128xf32, #tpu.memory_space<hbm>> -> memref<32x128xf32, #tpu.memory_space<hbm>>
      %dma_start3A_111 = arith.constant 64 : i32
      %dma_start3A_112 = arith.constant 0 : i32
      %dma_start3A_113 = tpu.memref_slice %arg4[%add3A_106, %dma_start3A_111, %dma_start3A_112] : memref<832x128x128xf32, #tpu.memory_space<hbm>> -> memref<1x32x128xf32, #tpu.memory_space<hbm>>
      %dma_start3A_114 = tpu.memref_squeeze %dma_start3A_113 : memref<1x32x128xf32, #tpu.memory_space<hbm>> -> memref<32x128xf32, #tpu.memory_space<hbm>>
      tpu.enqueue_dma source(%arg8 : memref<32x128xf32, #tpu.memory_space<vmem>>) target(%dma_start3A_114 : memref<32x128xf32, #tpu.memory_space<hbm>>) target_semaphore(%arg12 : memref<!tpu.dma_semaphore, #tpu.memory_space<semaphore_mem>>)
      %dma_wait3A_115 = arith.constant 32 : i32
      %dma_wait3A_116 = arith.constant 0 : i32
      %dma_wait3A_117 = tpu.memref_slice %arg4[%add3A_78, %dma_wait3A_115, %dma_wait3A_116] : memref<832x128x128xf32, #tpu.memory_space<hbm>> -> memref<1x32x128xf32, #tpu.memory_space<hbm>>
      %dma_wait3A_118 = tpu.memref_squeeze %dma_wait3A_117 : memref<1x32x128xf32, #tpu.memory_space<hbm>> -> memref<32x128xf32, #tpu.memory_space<hbm>>
      %dma_wait3A_119 = arith.constant 32 : i32
      %dma_wait3A_120 = arith.constant 0 : i32
      %dma_wait3A_121 = tpu.memref_slice %arg4[%add3A_78, %dma_wait3A_119, %dma_wait3A_120] : memref<832x128x128xf32, #tpu.memory_space<hbm>> -> memref<1x32x128xf32, #tpu.memory_space<hbm>>
      %dma_wait3A_122 = tpu.memref_squeeze %dma_wait3A_121 : memref<1x32x128xf32, #tpu.memory_space<hbm>> -> memref<32x128xf32, #tpu.memory_space<hbm>>
      tpu.wait_dma2 semaphore(%arg12 : memref<!tpu.dma_semaphore, #tpu.memory_space<semaphore_mem>>) src(%arg9 : memref<32x128xf32, #tpu.memory_space<vmem>>) dst(%dma_wait3A_122 : memref<32x128xf32, #tpu.memory_space<hbm>>)
      %scan3A_123 = arith.constant 0 : i32
      %scan3A_124 = arith.constant 0 : i32
      %scan3A_125 = arith.constant 16 : i32
      %scan3A_126 = arith.addi %scan3A_124, %scan3A_125 : i32
      %scan3A_127 = arith.constant 1 : i32
      %scan3A_128 = scf.for %scan3A_142 = %scan3A_124 to %scan3A_126 step %scan3A_127 iter_args(%scan3A_143 = %scan3A_123) -> (i32)  : i32 {
        %mul3A_144 = arith.constant 256 : i32
        %mul3A_145 = arith.muli %scan3A_142, %mul3A_144 : i32
        %add3A_146 = arith.constant 4096 : i32
        %add3A_147 = arith.addi %add3A_146, %mul3A_145 : i32
        %add3A_148 = arith.constant 0 : i32
        %add3A_149 = arith.addi %add3A_147, %add3A_148 : i32
        %get3A = arith.index_cast %add3A_149 : i32 to index
        %get3A_150 = tpu.vector_load %arg7[%get3A] {strides = array<i32>} : memref<8192xi32, #tpu.memory_space<vmem>>, vector<16xi32>,
        %gather3A = tpu.vector_load_idx %arg5[%get3A_150] : memref<100000xf32, #tpu.memory_space<vmem>>[vector<16xi32>], vector<16xf32>,
        %mul3A_151 = arith.constant 2 : i32
        %mul3A_152 = arith.muli %scan3A_142, %mul3A_151 : i32
        %add3A_153 = arith.constant 0 : i32
        %add3A_154 = arith.addi %mul3A_152, %add3A_153 : i32
        %swap3A = arith.index_cast %add3A_154 : i32 to index
        %swap3A_155 = arith.constant 0 : index
        %swap3A_156 = tpu.vector_load %arg9[%swap3A, %swap3A_155] {strides = array<i32>} : memref<32x128xf32, #tpu.memory_space<vmem>>, vector<16xf32>,
        tpu.vector_store %arg9[%swap3A, %swap3A_155], %gather3A {strides = array<i32>} : memref<32x128xf32, #tpu.memory_space<vmem>>, vector<16xf32>,
        %mul3A_157 = arith.constant 256 : i32
        %mul3A_158 = arith.muli %scan3A_142, %mul3A_157 : i32
        %add3A_159 = arith.constant 4096 : i32
        %add3A_160 = arith.addi %add3A_159, %mul3A_158 : i32
        %add3A_161 = arith.constant 16 : i32
        %add3A_162 = arith.addi %add3A_160, %add3A_161 : i32
        %get3A_163 = arith.index_cast %add3A_162 : i32 to index
        %get3A_164 = tpu.vector_load %arg7[%get3A_163] {strides = array<i32>} : memref<8192xi32, #tpu.memory_space<vmem>>, vector<16xi32>,
        %gather3A_165 = tpu.vector_load_idx %arg5[%get3A_164] : memref<100000xf32, #tpu.memory_space<vmem>>[vector<16xi32>], vector<16xf32>,
        %mul3A_166 = arith.constant 2 : i32
        %mul3A_167 = arith.muli %scan3A_142, %mul3A_166 : i32
        %add3A_168 = arith.constant 0 : i32
        %add3A_169 = arith.addi %mul3A_167, %add3A_168 : i32
        %swap3A_170 = arith.index_cast %add3A_169 : i32 to index
        %swap3A_171 = arith.constant 16 : index
        %swap3A_172 = tpu.vector_load %arg9[%swap3A_170, %swap3A_171] {strides = array<i32>} : memref<32x128xf32, #tpu.memory_space<vmem>>, vector<16xf32>,
        tpu.vector_store %arg9[%swap3A_170, %swap3A_171], %gather3A_165 {strides = array<i32>} : memref<32x128xf32, #tpu.memory_space<vmem>>, vector<16xf32>,
        %mul3A_173 = arith.constant 256 : i32
        %mul3A_174 = arith.muli %scan3A_142, %mul3A_173 : i32
        %add3A_175 = arith.constant 4096 : i32
        %add3A_176 = arith.addi %add3A_175, %mul3A_174 : i32
        %add3A_177 = arith.constant 32 : i32
        %add3A_178 = arith.addi %add3A_176, %add3A_177 : i32
        %get3A_179 = arith.index_cast %add3A_178 : i32 to index
        %get3A_180 = tpu.vector_load %arg7[%get3A_179] {strides = array<i32>} : memref<8192xi32, #tpu.memory_space<vmem>>, vector<16xi32>,
        %gather3A_181 = tpu.vector_load_idx %arg5[%get3A_180] : memref<100000xf32, #tpu.memory_space<vmem>>[vector<16xi32>], vector<16xf32>,
        %mul3A_182 = arith.constant 2 : i32
        %mul3A_183 = arith.muli %scan3A_142, %mul3A_182 : i32
        %add3A_184 = arith.constant 0 : i32
        %add3A_185 = arith.addi %mul3A_183, %add3A_184 : i32
        %swap3A_186 = arith.index_cast %add3A_185 : i32 to index
        %swap3A_187 = arith.constant 32 : index
        %swap3A_188 = tpu.vector_load %arg9[%swap3A_186, %swap3A_187] {strides = array<i32>} : memref<32x128xf32, #tpu.memory_space<vmem>>, vector<16xf32>,
        tpu.vector_store %arg9[%swap3A_186, %swap3A_187], %gather3A_181 {strides = array<i32>} : memref<32x128xf32, #tpu.memory_space<vmem>>, vector<16xf32>,
        %mul3A_189 = arith.constant 256 : i32
        %mul3A_190 = arith.muli %scan3A_142, %mul3A_189 : i32
        %add3A_191 = arith.constant 4096 : i32
        %add3A_192 = arith.addi %add3A_191, %mul3A_190 : i32
        %add3A_193 = arith.constant 48 : i32
        %add3A_194 = arith.addi %add3A_192, %add3A_193 : i32
        %get3A_195 = arith.index_cast %add3A_194 : i32 to index
        %get3A_196 = tpu.vector_load %arg7[%get3A_195] {strides = array<i32>} : memref<8192xi32, #tpu.memory_space<vmem>>, vector<16xi32>,
        %gather3A_197 = tpu.vector_load_idx %arg5[%get3A_196] : memref<100000xf32, #tpu.memory_space<vmem>>[vector<16xi32>], vector<16xf32>,
        %mul3A_198 = arith.constant 2 : i32
        %mul3A_199 = arith.muli %scan3A_142, %mul3A_198 : i32
        %add3A_200 = arith.constant 0 : i32
        %add3A_201 = arith.addi %mul3A_199, %add3A_200 : i32
        %swap3A_202 = arith.index_cast %add3A_201 : i32 to index
        %swap3A_203 = arith.constant 48 : index
        %swap3A_204 = tpu.vector_load %arg9[%swap3A_202, %swap3A_203] {strides = array<i32>} : memref<32x128xf32, #tpu.memory_space<vmem>>, vector<16xf32>,
        tpu.vector_store %arg9[%swap3A_202, %swap3A_203], %gather3A_197 {strides = array<i32>} : memref<32x128xf32, #tpu.memory_space<vmem>>, vector<16xf32>,
        %mul3A_205 = arith.constant 256 : i32
        %mul3A_206 = arith.muli %scan3A_142, %mul3A_205 : i32
        %add3A_207 = arith.constant 4096 : i32
        %add3A_208 = arith.addi %add3A_207, %mul3A_206 : i32
        %add3A_209 = arith.constant 64 : i32
        %add3A_210 = arith.addi %add3A_208, %add3A_209 : i32
        %get3A_211 = arith.index_cast %add3A_210 : i32 to index
        %get3A_212 = tpu.vector_load %arg7[%get3A_211] {strides = array<i32>} : memref<8192xi32, #tpu.memory_space<vmem>>, vector<16xi32>,
        %gather3A_213 = tpu.vector_load_idx %arg5[%get3A_212] : memref<100000xf32, #tpu.memory_space<vmem>>[vector<16xi32>], vector<16xf32>,
        %mul3A_214 = arith.constant 2 : i32
        %mul3A_215 = arith.muli %scan3A_142, %mul3A_214 : i32
        %add3A_216 = arith.constant 0 : i32
        %add3A_217 = arith.addi %mul3A_215, %add3A_216 : i32
        %swap3A_218 = arith.index_cast %add3A_217 : i32 to index
        %swap3A_219 = arith.constant 64 : index
        %swap3A_220 = tpu.vector_load %arg9[%swap3A_218, %swap3A_219] {strides = array<i32>} : memref<32x128xf32, #tpu.memory_space<vmem>>, vector<16xf32>,
        tpu.vector_store %arg9[%swap3A_218, %swap3A_219], %gather3A_213 {strides = array<i32>} : memref<32x128xf32, #tpu.memory_space<vmem>>, vector<16xf32>,
        %mul3A_221 = arith.constant 256 : i32
        %mul3A_222 = arith.muli %scan3A_142, %mul3A_221 : i32
        %add3A_223 = arith.constant 4096 : i32
        %add3A_224 = arith.addi %add3A_223, %mul3A_222 : i32
        %add3A_225 = arith.constant 80 : i32
        %add3A_226 = arith.addi %add3A_224, %add3A_225 : i32
        %get3A_227 = arith.index_cast %add3A_226 : i32 to index
        %get3A_228 = tpu.vector_load %arg7[%get3A_227] {strides = array<i32>} : memref<8192xi32, #tpu.memory_space<vmem>>, vector<16xi32>,
        %gather3A_229 = tpu.vector_load_idx %arg5[%get3A_228] : memref<100000xf32, #tpu.memory_space<vmem>>[vector<16xi32>], vector<16xf32>,
        %mul3A_230 = arith.constant 2 : i32
        %mul3A_231 = arith.muli %scan3A_142, %mul3A_230 : i32
        %add3A_232 = arith.constant 0 : i32
        %add3A_233 = arith.addi %mul3A_231, %add3A_232 : i32
        %swap3A_234 = arith.index_cast %add3A_233 : i32 to index
        %swap3A_235 = arith.constant 80 : index
        %swap3A_236 = tpu.vector_load %arg9[%swap3A_234, %swap3A_235] {strides = array<i32>} : memref<32x128xf32, #tpu.memory_space<vmem>>, vector<16xf32>,
        tpu.vector_store %arg9[%swap3A_234, %swap3A_235], %gather3A_229 {strides = array<i32>} : memref<32x128xf32, #tpu.memory_space<vmem>>, vector<16xf32>,
        %mul3A_237 = arith.constant 256 : i32
        %mul3A_238 = arith.muli %scan3A_142, %mul3A_237 : i32
        %add3A_239 = arith.constant 4096 : i32
        %add3A_240 = arith.addi %add3A_239, %mul3A_238 : i32
        %add3A_241 = arith.constant 96 : i32
        %add3A_242 = arith.addi %add3A_240, %add3A_241 : i32
        %get3A_243 = arith.index_cast %add3A_242 : i32 to index
        %get3A_244 = tpu.vector_load %arg7[%get3A_243] {strides = array<i32>} : memref<8192xi32, #tpu.memory_space<vmem>>, vector<16xi32>,
        %gather3A_245 = tpu.vector_load_idx %arg5[%get3A_244] : memref<100000xf32, #tpu.memory_space<vmem>>[vector<16xi32>], vector<16xf32>,
        %mul3A_246 = arith.constant 2 : i32
        %mul3A_247 = arith.muli %scan3A_142, %mul3A_246 : i32
        %add3A_248 = arith.constant 0 : i32
        %add3A_249 = arith.addi %mul3A_247, %add3A_248 : i32
        %swap3A_250 = arith.index_cast %add3A_249 : i32 to index
        %swap3A_251 = arith.constant 96 : index
        %swap3A_252 = tpu.vector_load %arg9[%swap3A_250, %swap3A_251] {strides = array<i32>} : memref<32x128xf32, #tpu.memory_space<vmem>>, vector<16xf32>,
        tpu.vector_store %arg9[%swap3A_250, %swap3A_251], %gather3A_245 {strides = array<i32>} : memref<32x128xf32, #tpu.memory_space<vmem>>, vector<16xf32>,
        %mul3A_253 = arith.constant 256 : i32
        %mul3A_254 = arith.muli %scan3A_142, %mul3A_253 : i32
        %add3A_255 = arith.constant 4096 : i32
        %add3A_256 = arith.addi %add3A_255, %mul3A_254 : i32
        %add3A_257 = arith.constant 112 : i32
        %add3A_258 = arith.addi %add3A_256, %add3A_257 : i32
        %get3A_259 = arith.index_cast %add3A_258 : i32 to index
        %get3A_260 = tpu.vector_load %arg7[%get3A_259] {strides = array<i32>} : memref<8192xi32, #tpu.memory_space<vmem>>, vector<16xi32>,
        %gather3A_261 = tpu.vector_load_idx %arg5[%get3A_260] : memref<100000xf32, #tpu.memory_space<vmem>>[vector<16xi32>], vector<16xf32>,
        %mul3A_262 = arith.constant 2 : i32
        %mul3A_263 = arith.muli %scan3A_142, %mul3A_262 : i32
        %add3A_264 = arith.constant 0 : i32
        %add3A_265 = arith.addi %mul3A_263, %add3A_264 : i32
        %swap3A_266 = arith.index_cast %add3A_265 : i32 to index
        %swap3A_267 = arith.constant 112 : index
        %swap3A_268 = tpu.vector_load %arg9[%swap3A_266, %swap3A_267] {strides = array<i32>} : memref<32x128xf32, #tpu.memory_space<vmem>>, vector<16xf32>,
        tpu.vector_store %arg9[%swap3A_266, %swap3A_267], %gather3A_261 {strides = array<i32>} : memref<32x128xf32, #tpu.memory_space<vmem>>, vector<16xf32>,
        %mul3A_269 = arith.constant 256 : i32
        %mul3A_270 = arith.muli %scan3A_142, %mul3A_269 : i32
        %add3A_271 = arith.constant 4096 : i32
        %add3A_272 = arith.addi %add3A_271, %mul3A_270 : i32
        %add3A_273 = arith.constant 128 : i32
        %add3A_274 = arith.addi %add3A_272, %add3A_273 : i32
        %get3A_275 = arith.index_cast %add3A_274 : i32 to index
        %get3A_276 = tpu.vector_load %arg7[%get3A_275] {strides = array<i32>} : memref<8192xi32, #tpu.memory_space<vmem>>, vector<16xi32>,
        %gather3A_277 = tpu.vector_load_idx %arg5[%get3A_276] : memref<100000xf32, #tpu.memory_space<vmem>>[vector<16xi32>], vector<16xf32>,
        %mul3A_278 = arith.constant 2 : i32
        %mul3A_279 = arith.muli %scan3A_142, %mul3A_278 : i32
        %add3A_280 = arith.constant 1 : i32
        %add3A_281 = arith.addi %mul3A_279, %add3A_280 : i32
        %swap3A_282 = arith.index_cast %add3A_281 : i32 to index
        %swap3A_283 = arith.constant 0 : index
        %swap3A_284 = tpu.vector_load %arg9[%swap3A_282, %swap3A_283] {strides = array<i32>} : memref<32x128xf32, #tpu.memory_space<vmem>>, vector<16xf32>,
        tpu.vector_store %arg9[%swap3A_282, %swap3A_283], %gather3A_277 {strides = array<i32>} : memref<32x128xf32, #tpu.memory_space<vmem>>, vector<16xf32>,
        %mul3A_285 = arith.constant 256 : i32
        %mul3A_286 = arith.muli %scan3A_142, %mul3A_285 : i32
        %add3A_287 = arith.constant 4096 : i32
        %add3A_288 = arith.addi %add3A_287, %mul3A_286 : i32
        %add3A_289 = arith.constant 144 : i32
        %add3A_290 = arith.addi %add3A_288, %add3A_289 : i32
        %get3A_291 = arith.index_cast %add3A_290 : i32 to index
        %get3A_292 = tpu.vector_load %arg7[%get3A_291] {strides = array<i32>} : memref<8192xi32, #tpu.memory_space<vmem>>, vector<16xi32>,
        %gather3A_293 = tpu.vector_load_idx %arg5[%get3A_292] : memref<100000xf32, #tpu.memory_space<vmem>>[vector<16xi32>], vector<16xf32>,
        %mul3A_294 = arith.constant 2 : i32
        %mul3A_295 = arith.muli %scan3A_142, %mul3A_294 : i32
        %add3A_296 = arith.constant 1 : i32
        %add3A_297 = arith.addi %mul3A_295, %add3A_296 : i32
        %swap3A_298 = arith.index_cast %add3A_297 : i32 to index
        %swap3A_299 = arith.constant 16 : index
        %swap3A_300 = tpu.vector_load %arg9[%swap3A_298, %swap3A_299] {strides = array<i32>} : memref<32x128xf32, #tpu.memory_space<vmem>>, vector<16xf32>,
        tpu.vector_store %arg9[%swap3A_298, %swap3A_299], %gather3A_293 {strides = array<i32>} : memref<32x128xf32, #tpu.memory_space<vmem>>, vector<16xf32>,
        %mul3A_301 = arith.constant 256 : i32
        %mul3A_302 = arith.muli %scan3A_142, %mul3A_301 : i32
        %add3A_303 = arith.constant 4096 : i32
        %add3A_304 = arith.addi %add3A_303, %mul3A_302 : i32
        %add3A_305 = arith.constant 160 : i32
        %add3A_306 = arith.addi %add3A_304, %add3A_305 : i32
        %get3A_307 = arith.index_cast %add3A_306 : i32 to index
        %get3A_308 = tpu.vector_load %arg7[%get3A_307] {strides = array<i32>} : memref<8192xi32, #tpu.memory_space<vmem>>, vector<16xi32>,
        %gather3A_309 = tpu.vector_load_idx %arg5[%get3A_308] : memref<100000xf32, #tpu.memory_space<vmem>>[vector<16xi32>], vector<16xf32>,
        %mul3A_310 = arith.constant 2 : i32
        %mul3A_311 = arith.muli %scan3A_142, %mul3A_310 : i32
        %add3A_312 = arith.constant 1 : i32
        %add3A_313 = arith.addi %mul3A_311, %add3A_312 : i32
        %swap3A_314 = arith.index_cast %add3A_313 : i32 to index
        %swap3A_315 = arith.constant 32 : index
        %swap3A_316 = tpu.vector_load %arg9[%swap3A_314, %swap3A_315] {strides = array<i32>} : memref<32x128xf32, #tpu.memory_space<vmem>>, vector<16xf32>,
        tpu.vector_store %arg9[%swap3A_314, %swap3A_315], %gather3A_309 {strides = array<i32>} : memref<32x128xf32, #tpu.memory_space<vmem>>, vector<16xf32>,
        %mul3A_317 = arith.constant 256 : i32
        %mul3A_318 = arith.muli %scan3A_142, %mul3A_317 : i32
        %add3A_319 = arith.constant 4096 : i32
        %add3A_320 = arith.addi %add3A_319, %mul3A_318 : i32
        %add3A_321 = arith.constant 176 : i32
        %add3A_322 = arith.addi %add3A_320, %add3A_321 : i32
        %get3A_323 = arith.index_cast %add3A_322 : i32 to index
        %get3A_324 = tpu.vector_load %arg7[%get3A_323] {strides = array<i32>} : memref<8192xi32, #tpu.memory_space<vmem>>, vector<16xi32>,
        %gather3A_325 = tpu.vector_load_idx %arg5[%get3A_324] : memref<100000xf32, #tpu.memory_space<vmem>>[vector<16xi32>], vector<16xf32>,
        %mul3A_326 = arith.constant 2 : i32
        %mul3A_327 = arith.muli %scan3A_142, %mul3A_326 : i32
        %add3A_328 = arith.constant 1 : i32
        %add3A_329 = arith.addi %mul3A_327, %add3A_328 : i32
        %swap3A_330 = arith.index_cast %add3A_329 : i32 to index
        %swap3A_331 = arith.constant 48 : index
        %swap3A_332 = tpu.vector_load %arg9[%swap3A_330, %swap3A_331] {strides = array<i32>} : memref<32x128xf32, #tpu.memory_space<vmem>>, vector<16xf32>,
        tpu.vector_store %arg9[%swap3A_330, %swap3A_331], %gather3A_325 {strides = array<i32>} : memref<32x128xf32, #tpu.memory_space<vmem>>, vector<16xf32>,
        %mul3A_333 = arith.constant 256 : i32
        %mul3A_334 = arith.muli %scan3A_142, %mul3A_333 : i32
        %add3A_335 = arith.constant 4096 : i32
        %add3A_336 = arith.addi %add3A_335, %mul3A_334 : i32
        %add3A_337 = arith.constant 192 : i32
        %add3A_338 = arith.addi %add3A_336, %add3A_337 : i32
        %get3A_339 = arith.index_cast %add3A_338 : i32 to index
        %get3A_340 = tpu.vector_load %arg7[%get3A_339] {strides = array<i32>} : memref<8192xi32, #tpu.memory_space<vmem>>, vector<16xi32>,
        %gather3A_341 = tpu.vector_load_idx %arg5[%get3A_340] : memref<100000xf32, #tpu.memory_space<vmem>>[vector<16xi32>], vector<16xf32>,
        %mul3A_342 = arith.constant 2 : i32
        %mul3A_343 = arith.muli %scan3A_142, %mul3A_342 : i32
        %add3A_344 = arith.constant 1 : i32
        %add3A_345 = arith.addi %mul3A_343, %add3A_344 : i32
        %swap3A_346 = arith.index_cast %add3A_345 : i32 to index
        %swap3A_347 = arith.constant 64 : index
        %swap3A_348 = tpu.vector_load %arg9[%swap3A_346, %swap3A_347] {strides = array<i32>} : memref<32x128xf32, #tpu.memory_space<vmem>>, vector<16xf32>,
        tpu.vector_store %arg9[%swap3A_346, %swap3A_347], %gather3A_341 {strides = array<i32>} : memref<32x128xf32, #tpu.memory_space<vmem>>, vector<16xf32>,
        %mul3A_349 = arith.constant 256 : i32
        %mul3A_350 = arith.muli %scan3A_142, %mul3A_349 : i32
        %add3A_351 = arith.constant 4096 : i32
        %add3A_352 = arith.addi %add3A_351, %mul3A_350 : i32
        %add3A_353 = arith.constant 208 : i32
        %add3A_354 = arith.addi %add3A_352, %add3A_353 : i32
        %get3A_355 = arith.index_cast %add3A_354 : i32 to index
        %get3A_356 = tpu.vector_load %arg7[%get3A_355] {strides = array<i32>} : memref<8192xi32, #tpu.memory_space<vmem>>, vector<16xi32>,
        %gather3A_357 = tpu.vector_load_idx %arg5[%get3A_356] : memref<100000xf32, #tpu.memory_space<vmem>>[vector<16xi32>], vector<16xf32>,
        %mul3A_358 = arith.constant 2 : i32
        %mul3A_359 = arith.muli %scan3A_142, %mul3A_358 : i32
        %add3A_360 = arith.constant 1 : i32
        %add3A_361 = arith.addi %mul3A_359, %add3A_360 : i32
        %swap3A_362 = arith.index_cast %add3A_361 : i32 to index
        %swap3A_363 = arith.constant 80 : index
        %swap3A_364 = tpu.vector_load %arg9[%swap3A_362, %swap3A_363] {strides = array<i32>} : memref<32x128xf32, #tpu.memory_space<vmem>>, vector<16xf32>,
        tpu.vector_store %arg9[%swap3A_362, %swap3A_363], %gather3A_357 {strides = array<i32>} : memref<32x128xf32, #tpu.memory_space<vmem>>, vector<16xf32>,
        %mul3A_365 = arith.constant 256 : i32
        %mul3A_366 = arith.muli %scan3A_142, %mul3A_365 : i32
        %add3A_367 = arith.constant 4096 : i32
        %add3A_368 = arith.addi %add3A_367, %mul3A_366 : i32
        %add3A_369 = arith.constant 224 : i32
        %add3A_370 = arith.addi %add3A_368, %add3A_369 : i32
        %get3A_371 = arith.index_cast %add3A_370 : i32 to index
        %get3A_372 = tpu.vector_load %arg7[%get3A_371] {strides = array<i32>} : memref<8192xi32, #tpu.memory_space<vmem>>, vector<16xi32>,
        %gather3A_373 = tpu.vector_load_idx %arg5[%get3A_372] : memref<100000xf32, #tpu.memory_space<vmem>>[vector<16xi32>], vector<16xf32>,
        %mul3A_374 = arith.constant 2 : i32
        %mul3A_375 = arith.muli %scan3A_142, %mul3A_374 : i32
        %add3A_376 = arith.constant 1 : i32
        %add3A_377 = arith.addi %mul3A_375, %add3A_376 : i32
        %swap3A_378 = arith.index_cast %add3A_377 : i32 to index
        %swap3A_379 = arith.constant 96 : index
        %swap3A_380 = tpu.vector_load %arg9[%swap3A_378, %swap3A_379] {strides = array<i32>} : memref<32x128xf32, #tpu.memory_space<vmem>>, vector<16xf32>,
        tpu.vector_store %arg9[%swap3A_378, %swap3A_379], %gather3A_373 {strides = array<i32>} : memref<32x128xf32, #tpu.memory_space<vmem>>, vector<16xf32>,
        %mul3A_381 = arith.constant 256 : i32
        %mul3A_382 = arith.muli %scan3A_142, %mul3A_381 : i32
        %add3A_383 = arith.constant 4096 : i32
        %add3A_384 = arith.addi %add3A_383, %mul3A_382 : i32
        %add3A_385 = arith.constant 240 : i32
        %add3A_386 = arith.addi %add3A_384, %add3A_385 : i32
        %get3A_387 = arith.index_cast %add3A_386 : i32 to index
        %get3A_388 = tpu.vector_load %arg7[%get3A_387] {strides = array<i32>} : memref<8192xi32, #tpu.memory_space<vmem>>, vector<16xi32>,
        %gather3A_389 = tpu.vector_load_idx %arg5[%get3A_388] : memref<100000xf32, #tpu.memory_space<vmem>>[vector<16xi32>], vector<16xf32>,
        %mul3A_390 = arith.constant 2 : i32
        %mul3A_391 = arith.muli %scan3A_142, %mul3A_390 : i32
        %add3A_392 = arith.constant 1 : i32
        %add3A_393 = arith.addi %mul3A_391, %add3A_392 : i32
        %swap3A_394 = arith.index_cast %add3A_393 : i32 to index
        %swap3A_395 = arith.constant 112 : index
        %swap3A_396 = tpu.vector_load %arg9[%swap3A_394, %swap3A_395] {strides = array<i32>} : memref<32x128xf32, #tpu.memory_space<vmem>>, vector<16xf32>,
        tpu.vector_store %arg9[%swap3A_394, %swap3A_395], %gather3A_389 {strides = array<i32>} : memref<32x128xf32, #tpu.memory_space<vmem>>, vector<16xf32>,
        %scan3A_397 = arith.constant 0 : i32
        scf.yield %scan3A_397 : i32
      }
      %scan3A_129 = arith.constant 16 : i32
      %mul3A_130 = arith.constant 32 : i32
      %mul3A_131 = arith.muli %scan3A_24, %mul3A_130 : i32
      %add3A_132 = arith.addi %mul3A_131, %add3A : i32
      %dma_start3A_133 = arith.constant 96 : i32
      %dma_start3A_134 = arith.constant 0 : i32
      %dma_start3A_135 = tpu.memref_slice %arg4[%add3A_132, %dma_start3A_133, %dma_start3A_134] : memref<832x128x128xf32, #tpu.memory_space<hbm>> -> memref<1x32x128xf32, #tpu.memory_space<hbm>>
      %dma_start3A_136 = tpu.memref_squeeze %dma_start3A_135 : memref<1x32x128xf32, #tpu.memory_space<hbm>> -> memref<32x128xf32, #tpu.memory_space<hbm>>
      %dma_start3A_137 = arith.constant 96 : i32
      %dma_start3A_138 = arith.constant 0 : i32
      %dma_start3A_139 = tpu.memref_slice %arg4[%add3A_132, %dma_start3A_137, %dma_start3A_138] : memref<832x128x128xf32, #tpu.memory_space<hbm>> -> memref<1x32x128xf32, #tpu.memory_space<hbm>>
      %dma_start3A_140 = tpu.memref_squeeze %dma_start3A_139 : memref<1x32x128xf32, #tpu.memory_space<hbm>> -> memref<32x128xf32, #tpu.memory_space<hbm>>
      tpu.enqueue_dma source(%arg9 : memref<32x128xf32, #tpu.memory_space<vmem>>) target(%dma_start3A_140 : memref<32x128xf32, #tpu.memory_space<hbm>>) target_semaphore(%arg12 : memref<!tpu.dma_semaphore, #tpu.memory_space<semaphore_mem>>)
      %scan3A_141 = arith.constant 0 : i32
      scf.yield %scan3A_141 : i32
    }
    %scan3A_6 = arith.constant 26 : i32
    %dma_wait3A = arith.constant 0 : i32
    %dma_wait3A_7 = arith.constant 0 : i32
    %dma_wait3A_8 = arith.constant 0 : i32
    %dma_wait3A_9 = tpu.memref_slice %arg4[%dma_wait3A, %dma_wait3A_7, %dma_wait3A_8] : memref<832x128x128xf32, #tpu.memory_space<hbm>> -> memref<1x32x128xf32, #tpu.memory_space<hbm>>
    %dma_wait3A_10 = tpu.memref_squeeze %dma_wait3A_9 : memref<1x32x128xf32, #tpu.memory_space<hbm>> -> memref<32x128xf32, #tpu.memory_space<hbm>>
    %dma_wait3A_11 = arith.constant 0 : i32
    %dma_wait3A_12 = arith.constant 0 : i32
    %dma_wait3A_13 = tpu.memref_slice %arg4[%dma_wait3A, %dma_wait3A_11, %dma_wait3A_12] : memref<832x128x128xf32, #tpu.memory_space<hbm>> -> memref<1x32x128xf32, #tpu.memory_space<hbm>>
    %dma_wait3A_14 = tpu.memref_squeeze %dma_wait3A_13 : memref<1x32x128xf32, #tpu.memory_space<hbm>> -> memref<32x128xf32, #tpu.memory_space<hbm>>
    tpu.wait_dma2 semaphore(%arg12 : memref<!tpu.dma_semaphore, #tpu.memory_space<semaphore_mem>>) src(%dma_wait3A_14 : memref<32x128xf32, #tpu.memory_space<hbm>>) dst(%arg8 : memref<32x128xf32, #tpu.memory_space<vmem>>)
    %dma_wait3A_15 = arith.constant 0 : i32
    %dma_wait3A_16 = arith.constant 0 : i32
    %dma_wait3A_17 = arith.constant 0 : i32
    %dma_wait3A_18 = tpu.memref_slice %arg4[%dma_wait3A_15, %dma_wait3A_16, %dma_wait3A_17] : memref<832x128x128xf32, #tpu.memory_space<hbm>> -> memref<1x32x128xf32, #tpu.memory_space<hbm>>
    %dma_wait3A_19 = tpu.memref_squeeze %dma_wait3A_18 : memref<1x32x128xf32, #tpu.memory_space<hbm>> -> memref<32x128xf32, #tpu.memory_space<hbm>>
    %dma_wait3A_20 = arith.constant 0 : i32
    %dma_wait3A_21 = arith.constant 0 : i32
    %dma_wait3A_22 = tpu.memref_slice %arg4[%dma_wait3A_15, %dma_wait3A_20, %dma_wait3A_21] : memref<832x128x128xf32, #tpu.memory_space<hbm>> -> memref<1x32x128xf32, #tpu.memory_space<hbm>>
    %dma_wait3A_23 = tpu.memref_squeeze %dma_wait3A_22 : memref<1x32x128xf32, #tpu.memory_space<hbm>> -> memref<32x128xf32, #tpu.memory_space<hbm>>
    tpu.wait_dma2 semaphore(%arg12 : memref<!tpu.dma_semaphore, #tpu.memory_space<semaphore_mem>>) src(%dma_wait3A_23 : memref<32x128xf32, #tpu.memory_space<hbm>>) dst(%arg8 : memref<32x128xf32, #tpu.memory_space<vmem>>)
    return
  }
}

module attributes {stable_mosaic.version = 14 : i64} {
  func.func @mm(%arg0: i32, %arg1: memref<832x16x128xf32, #tpu.memory_space<vmem>>, %arg2: memref<5x832xf32, #tpu.memory_space<vmem>>, %arg3: memref<5x1xf32, #tpu.memory_space<vmem>>, %arg4: memref<5x2048xf32, #tpu.memory_space<vmem>>) attributes {dimension_semantics = [#tpu.dimension_semantics<arbitrary>], iteration_bounds = array<i64: 8>, scalar_prefetch = 0 : i64, scratch_operands = 0 : i64, tpu.core_type = #tpu.core_type<tc>, window_params = [{transform_indices = @transform_0, window_bounds = array<i64: 832, 16, 128>}, {pipeline_mode = #tpu.pipeline_mode<synchronous>, transform_indices = @transform_1, window_bounds = array<i64: 5, 832>}, {pipeline_mode = #tpu.pipeline_mode<synchronous>, transform_indices = @transform_2, window_bounds = array<i64: 5, 1>}, {transform_indices = @transform_3, window_bounds = array<i64: 5, 2048>}]} {
    %get3A = arith.constant 0 : index
    %get3A_0 = arith.constant 0 : index
    %get3A_1 = arith.constant 0 : index
    %get3A_2 = vector.load %arg1[%get3A, %get3A_0, %get3A_1] : memref<832x16x128xf32, #tpu.memory_space<vmem>>, vector<832x16x128xf32>
    %reshape3A = vector.shape_cast %get3A_2 : vector<832x16x128xf32> to vector<832x2048xf32>
    %get3A_3 = arith.constant 0 : index
    %get3A_4 = arith.constant 0 : index
    %get3A_5 = vector.load %arg2[%get3A_3, %get3A_4] : memref<5x832xf32, #tpu.memory_space<vmem>>, vector<5x832xf32>
    %dot_general3A = arith.constant dense<0.000000e+00> : vector<5x2048xf32>
    %dot_general3A_6 = tpu.matmul %get3A_5, %reshape3A, %dot_general3A {dimension_numbers = #tpu.dot_dimension_numbers<[1], [0], [0], [1], [0, 0, 1, 1], [], []>, transpose_lhs_hint = false} : vector<5x832xf32>, vector<832x2048xf32>, vector<5x2048xf32> -> vector<5x2048xf32>
    %get3A_7 = arith.constant 0 : index
    %get3A_8 = arith.constant 0 : index
    %get3A_9 = vector.load %arg3[%get3A_7, %get3A_8] : memref<5x1xf32, #tpu.memory_space<vmem>>, vector<5x1xf32>
    %add3A = vector.broadcast %get3A_9 : vector<5x1xf32> to vector<5x2048xf32>
    %add3A_10 = arith.addf %dot_general3A_6, %add3A : vector<5x2048xf32>
    %swap3A = arith.constant 0 : index
    %swap3A_11 = arith.constant 0 : index
    %swap3A_12 = vector.load %arg4[%swap3A, %swap3A_11] : memref<5x2048xf32, #tpu.memory_space<vmem>>, vector<5x2048xf32>
    tpu.vector_store %arg4[%swap3A, %swap3A_11], %add3A_10 {strides = array<i32>} : memref<5x2048xf32, #tpu.memory_space<vmem>>, vector<5x2048xf32>,
    return
  }
  func.func @transform_0(%arg0: i32) -> (i32, i32, i32) {
    %c0_i32 = arith.constant 0 : i32
    %c0_i32_0 = arith.constant 0 : i32
    %c0_i32_1 = arith.constant 0 : i32
    return %c0_i32, %arg0, %c0_i32_0 : i32, i32, i32
  }
  func.func @transform_1(%arg0: i32) -> (i32, i32) {
    %c0_i32 = arith.constant 0 : i32
    %c0_i32_0 = arith.constant 0 : i32
    %c0_i32_1 = arith.constant 0 : i32
    return %c0_i32, %c0_i32_0 : i32, i32
  }
  func.func @transform_2(%arg0: i32) -> (i32, i32) {
    %c0_i32 = arith.constant 0 : i32
    %c0_i32_0 = arith.constant 0 : i32
    %c0_i32_1 = arith.constant 0 : i32
    return %c0_i32, %c0_i32_0 : i32, i32
  }
  func.func @transform_3(%arg0: i32) -> (i32, i32) {
    %c0_i32 = arith.constant 0 : i32
    %c0_i32_0 = arith.constant 0 : i32
    return %c0_i32, %arg0 : i32, i32
  }
}

</mosaic_0001>

<sc_bundles>
// kernel: kernel.4.cloned.1.call-start
scs
__scs_entry_jumppad:
0x0: {  	(pc) =	sbr.rel $0x88, $3  }
0x1: {  	(tag) =	ssettag $0x0;
	lr =	simm.s32 $0x1  }
0x2: {  	[smem:$0x3F9D] =	sst lr;
	_ =	strace $0xD0000000  }
0x3: {  	_ = 	snop  }
0x4: {  	_ = 	snop  }
0x5: {  	_ = 	snop  }
0x6: {  	_ = 	snop  }
0x7: {  	_ = 	snop  }
__scs_overlays_trampoline_lowered:
0x8: {  	[smem:$0x3FAC] =	sst s0  }
0x9: {  	[smem:$0x3FAD] =	sst s1  }
0xa: {  	[smem:$0x3FAE] =	sst s2  }
0xb: {  	[smem:$0x3FAF] =	sst s3  }
0xc: {  	[smem:$0x3FB0] =	sst s4  }
0xd: {  	[smem:$0x3FB1] =	sst s5  }
0xe: {  	[smem:$0x3FB2] =	sst s6  }
0xf: {  	[smem:$0x3FB3] =	sst s7  }
0x10: {  	[smem:$0x3FB4] =	sst s8  }
0x11: {  	[smem:$0x3FB5] =	sst s9;
	s0 =	simm.s32 @!p0 $0x0  }
0x12: {  	s1 =	sld [smem:$0x3F9B];
	s0 =	simm.s32 @p0 $0x1  }
0x13: {  	[smem:$0x3FB6] =	sst s0;
	s0 =	simm.s32 @!p1 $0x0  }
0x14: {  	s2 =	sld [smem:$0x3F9A];
	s0 =	simm.s32 @p1 $0x1  }
0x15: {  	[smem:$0x3FB7] =	sst s0;
	s0 =	simm.s32 @!p2 $0x0  }
0x16: {  	s3 =	sld [smem:$0x3FDB];
	s0 =	simm.s32 @p2 $0x1  }
0x17: {  	s4 =	simm.s32 $0x1BF5;
	[smem:$0x3FB9] =	sst s0  }
0x18: {  	s0 =	sld [smem:$0x3F9C];
	_ =	swait.ge [sflag:s4], $0x0  }
0x19: {  	s7 =	sld [smem:$0x3F9D]  }
0x1a: {  	s8 =	sadd.s32 $0xFFFFE003, lr  }
0x1b: {  	s9 =	sadd.s32 $0xFFFFFEF7, lr;
	s5 =	simm.s32 $0xFFFFFFFF;
	p2 =	slt.u32 s8, $0xFFFFF086  }
0x1c: {  	p1 =	slt.u32 s9, $0xF7A;
	s5 =	simm.s32 @!p2 $0x0  }
0x1d: {  	s5 =	simm.s32 @p1 $0x1;
	p0 =	seq.s32 s7, s2  }
0x1e: {  	s7 =	smul.u32 @!p0 $0xF7A, s2;
	p2 =	seq.s32 @!p0 s5, $0x0  }
0x1f: {  	s9 =	smul.u32 $0xF7A, s1;
	s8 =	simm.s32 @!p0 $0x1BF5;
	p2 =	por !p2, p0  }
0x20: {  	[sflag:s8] =	ssyncset.s32 @!p0 $0xFFFFF086;
	s6 =	sadd.s32 @!p0 s3, s7;
	s7 =	simm.s32 @!p0 $0x108  }
0x21: {  	s3 =	sadd.s32 s3, s9;
	s6 =	sadd.s32 @!p0 $0x88, s6;
	s7 =	simm.s32 @p2 $0x1082  }
0x22: {  	[simem:s7], [sflag:s8] =	dma.local @!p0 [hbm:s6], $0xF7A  }
0x23: {  	s9 =	sor.u32 $0xD0000000, s2;
	s6 =	simm.s32 $0x108;
	_ =	swait.ge @!p0 [sflag:s8], $0x0  }
0x24: {  	s3 =	sadd.s32 $0x88, s3;
	s6 =	simm.s32 @!p1 $0x1082;
	[sflag:s4] =	ssyncset.s32 $0xFFFFF086  }
0x25: {  	[simem:s6], [sflag:s4] =	dma.local [hbm:s3], $0xF7A  }
0x26: {  	[smem:$0x3F9D] =	sst s1;
	(tag) =	ssettag s2;
	_ =	strace s9  }
0x27: {  	s1 =	sld [smem:$0x3FAD]  }
0x28: {  	s2 =	sld [smem:$0x3FAE]  }
0x29: {  	s4 =	sld [smem:$0x3FB0]  }
0x2a: {  	p0 =	seq.s32 s5, $0x0;
	s5 =	sld [smem:$0x3FB1]  }
0x2b: {  	s6 =	sld [smem:$0x3FB2]  }
0x2c: {  	s7 =	sld [smem:$0x3FB3]  }
0x2d: {  	s3 =	simm.s32 $0x108;
	s8 =	sld [smem:$0x3FB4]  }
0x2e: {  	s3 =	simm.s32 @!p0 $0x1082;
	s9 =	sld [smem:$0x3FB5]  }
0x2f: {  	lr =	sadd.s32 s0, s3;
	s0 =	sld [smem:$0x3FAC]  }
0x30: {  	s3 =	sld [smem:$0x3FAF]  }
0x31: {  	[smem:$0x3FB8] =	sst s10  }
0x32: {  	s10 =	sld [smem:$0x3FB6];
	_ =	sdelay $0x3  }
0x33: {  	p0 =	seq.s32 s10, $0x1;
	s10 =	sld [smem:$0x3FB8];
	_ =	sdelay $0x3  }
0x34: {  	[smem:$0x3FB8] =	sst s10  }
0x35: {  	s10 =	sld [smem:$0x3FB7];
	_ =	sdelay $0x3  }
0x36: {  	p1 =	seq.s32 s10, $0x1;
	s10 =	sld [smem:$0x3FB8];
	_ =	sdelay $0x3  }
0x37: {  	[smem:$0x3FB8] =	sst s10  }
0x38: {  	s10 =	sld [smem:$0x3FB9]  }
0x39: {  	_ = 	snop;
	(pc) =	sbr.ind lr, $3  }
0x3a: {  	_ = 	snop  }
0x3b: {  	_ = 	snop  }
0x3c: {  	p2 =	seq.s32 s10, $0x1;
	s10 =	sld [smem:$0x3FB8]  }
0x3d: {  	_ =	shalt  }
0x3e: {  	_ =	shalt  }
0x3f: {  	_ =	shalt  }
0x40: {  	_ =	shalt  }
0x41: {  	_ =	shalt  }
0x42: {  	_ =	shalt  }
0x43: {  	_ =	shalt  }
0x44: {  	_ =	shalt  }
0x45: {  	_ =	shalt  }
0x46: {  	_ =	shalt  }
0x47: {  	_ =	shalt  }
0x48: {  	_ =	shalt  }
0x49: {  	_ =	shalt  }
0x4a: {  	_ =	shalt  }
0x4b: {  	_ =	shalt  }
0x4c: {  	_ =	shalt  }
0x4d: {  	_ =	shalt  }
0x4e: {  	_ =	shalt  }
0x4f: {  	_ =	shalt  }
0x50: {  	_ =	shalt  }
0x51: {  	_ =	shalt  }
0x52: {  	_ =	shalt  }
0x53: {  	_ =	shalt  }
0x54: {  	_ =	shalt  }
0x55: {  	_ =	shalt  }
0x56: {  	_ =	shalt  }
0x57: {  	_ =	shalt  }
0x58: {  	_ =	shalt  }
0x59: {  	_ =	shalt  }
0x5a: {  	_ =	shalt  }
0x5b: {  	_ =	shalt  }
0x5c: {  	_ =	shalt  }
0x5d: {  	_ =	shalt  }
0x5e: {  	_ =	shalt  }
0x5f: {  	_ =	shalt  }
0x60: {  	_ =	shalt  }
0x61: {  	_ =	shalt  }
0x62: {  	_ =	shalt  }
0x63: {  	_ =	shalt  }
0x64: {  	_ =	shalt  }
0x65: {  	_ =	shalt  }
0x66: {  	_ =	shalt  }
0x67: {  	_ =	shalt  }
0x68: {  	_ =	shalt  }
0x69: {  	_ =	shalt  }
0x6a: {  	_ =	shalt  }
0x6b: {  	_ =	shalt  }
0x6c: {  	_ =	shalt  }
0x6d: {  	_ =	shalt  }
0x6e: {  	_ =	shalt  }
0x6f: {  	_ =	shalt  }
0x70: {  	_ =	shalt  }
0x71: {  	_ =	shalt  }
0x72: {  	_ =	shalt  }
0x73: {  	_ =	shalt  }
0x74: {  	_ =	shalt  }
0x75: {  	_ =	shalt  }
0x76: {  	_ =	shalt  }
0x77: {  	_ =	shalt  }
0x78: {  	_ =	shalt  }
0x79: {  	_ =	shalt  }
0x7a: {  	_ =	shalt  }
0x7b: {  	_ =	shalt  }
0x7c: {  	_ =	shalt  }
0x7d: {  	_ =	shalt  }
0x7e: {  	_ =	shalt  }
0x7f: {  	_ =	shalt  }
0x80: {  	_ =	shalt  }
0x81: {  	_ =	shalt  }
0x82: {  	_ =	shalt  }
0x83: {  	_ =	shalt  }
0x84: {  	_ =	shalt  }
0x85: {  	_ =	shalt  }
0x86: {  	_ =	shalt  }
0x87: {  	_ =	shalt  }
.Lfunc_end0:
.L_simem_size_0:
called_computation_lowered:
.L_overlay_start_0:
0x88: {  	s2 =	sld [smem:$0x3FD9]  }
0x89: {  	s3 =	sld [smem:$0x3FFE];
	_ =	sdelay $0x1  }
0x8a: {  	s1 =	srdreg.scid  }
0x8b: {  	s0 =	sand.u32 $0x1, s1  }
0x8c: {  	s17 =	sshll.u32 s0, $0xA;
	s2 =	sadd.s32 s3, s2  }
0x8d: {  	s2 =	sadd.s32 s2, s17  }
0x8e: {  	[smem:$0x3FC4] =	sst s2  }
0x8f: {  	_ = 	snop  }
0x90: {  	s2 =	sld [smem:$0x3FC8];
	(tm) =	ssettm $0x1  }
0x91: {  	s18 =	sld [smem:$0x3FFB];
	_ =	sdelay $0x3  }
0x92: {  	_ =	strace s18  }
0x93: {  	s3 =	sld [smem:$0x3FFC];
	_ =	sdelay $0x3  }
0x94: {  	_ =	strace s3  }
0x95: {  	s3 =	sld [smem:$0x3FFD];
	_ =	sdelay $0x3  }
0x96: {  	_ =	strace s3  }
0x97: {  	_ =	strace $0x8FFFFFFF  }
0x98: {  	s19 =	sld [smem:$0x3FDB];
	_ =	sdelay $0x1  }
0x99: {  	s4 =	simm.s32 $_scs_section_size  }
0x9a: {  	s5 =	simm.s32 $_size__tile_overlayer_lowered;
	s6 =	simm.s32 $_tile_overlayer_lowered  }
0x9b: {  	s22 =	simm.s32 $0x1BFF;
	s21 =	sshll.u32 s6, $0x1;
	s3 =	sadd.s32 s4, s19  }
0x9c: {  	s7 =	simm.s32 $0x0;
	s20 =	sshll.u32 s5, $0x1;
	s5 =	sadd.s32 s21, s3  }
0x9d: {  	[timem:s7], [sflag:s22] =	dma.local [hbm:s5], s20  }
0x9e: {  	_ =	swait.ge [sflag:s22], s20  }
0x9f: {  	s4 =	ssub.s32 $0x0, s20;
	[sflag:s22] =	ssyncset.done $0x0  }
0xa0: {  	[sflag:s22] =	ssyncadd.s32 s4;
	_ =	sdelay $0x1  }
0xa1: {  	s23 =	simm.s32 $0x1B8B  }
0xa2: {  	_ =	swait.ge [sflag:s23], $0x1  }
0xa3: {  	[sflag:s23] =	ssyncset.done $0x0  }
0xa4: {  	s25 =	simm.s32 $0x1B8E;
	s24 =	sld [smem:$0x3FFE];
	[sflag:s23] =	ssyncadd.s32 $0xFFFFFFFF  }
0xa5: {  	s26 =	simm.s32 $execute0_lowered;
	[smem:$0x3FD2] =	sst s25  }
0xa6: {  	s5 =	sshll.u32 s26, $0x1;
	_ =	strace $0x80000046;
	[dreg:$0x1] =	wrdreg $0xFFFFFFFF  }
0xa7: {  	s28 =	simm.s32 $_size_execute0_lowered;
	s3 =	sadd.s32 s3, s5;
	[dreg:$0x0] =	wrdreg $0x0  }
0xa8: {  	s5 =	sshll.u32 s28, $0x1;
	[dreg:$0x2] =	wrdreg s3  }
0xa9: {  	[dreg:$0x3] =	wrdreg s5  }
0xaa: {  	[dreg:$0x4] =	wrdreg $0xC0  }
0xab: {  	_ =	task [dreg:s7], $0x5FFFF  }
0xac: {  	[dreg:$0x1] =	wrdreg $0xFFFFFFFF  }
0xad: {  	[dreg:$0x0] =	wrdreg $0x60  }
0xae: {  	[dreg:$0x2] =	wrdreg s2  }
0xaf: {  	[dreg:$0x3] =	wrdreg s24  }
0xb0: {  	[dreg:$0x4] =	wrdreg $0x9  }
0xb1: {  	_ =	task.clear_ibuf [dreg:s7], $0x5FFFF;
	_ =	strace $0x90000046  }
0xb2: {  	s29 =	simm.s32 $0x9;
	_ =	strace $0x80000048  }
0xb3: {  	_ =	swait.ge [sflag:s29], $0x1  }
0xb4: {  	[sflag:s29] =	ssyncadd.s32 $0xFFFFFFFF  }
0xb5: {  	_ =	strace $0x90000048  }
0xb6: {  	_ =	sfence  }
0xb7: {  	s30 =	sld [smem:$0x0];
	_ =	sdelay $0x2  }
0xb8: {  	s31 =	sshll.u32 s1, $0xD;
	s1 =	sshrl.u32 s1, $0x2  }
0xb9: {  	s3 =	sand.u32 $0x4000, s31;
	s1 =	sadd.s32 s1, s30  }
0xba: {  	s0 =	sor.u32 s3, s0;
	s1 =	sshll.u32 s1, $0x11  }
0xbb: {  	s0 =	sor.u32 s1, s0  }
0xbc: {  	s0 =	sadd.s32 $0x8F2B, s0  }
0xbd: {  	[sflag:s0] =	ssyncadd.remote.s32 $0x1  }
0xbe: {  	_ =	sfence.sel $0xFFFF  }
0xbf: {  	[dreg:$0x0] =	wrdreg $0xFFFFFFFF;
	(pc) =	sbr.abs _section_cstart, $3  }
0xc0: {  	[dreg:$0x1] =	wrdreg $0xFFFFFFFF  }
0xc1: {  	_ =	task.clear_ibuf [dreg:s7], $0x2FFFF;
	_ =	strace $0x9FFFFFFF  }
0xc2: {  	(tm) =	ssettm $0x7FFFFFFF  }
0xc3: {  	_ =	shalt  }
tec
execute0_lowered:
.L_overlay_start_1:
0x0: {  	(tag) =	ssettag $0x1  }
0x1: {  	s1 =	rddreg [dreg:$0x0]  }
0x2: {  	s11 =	rddreg [dreg:$0x1]  }
0x3: {  	s0 =	rddreg [dreg:$0x2];
	s3 =	simm.s32 $0x0  }
0x4: {  	s4 =	srdreg.scid;
	s2 =	stileid.u32;
	s13 =	simm.s32 $0x80  }
0x5: {  	s14 =	simm.s32 $0x400;
	s15 =	simm.s32 $0x18700;
	s16 =	simm.s32 $0x1A700  }
0x6: {  	s17 =	simm.s32 $0x1;
	s18 =	simm.s32 $0x2;
	s19 =	simm.s32 $0x1C700  }
0x7: {  	s20 =	simm.s32 $0x1D700;
	s21 =	simm.s32 $0x3;
	s22 =	simm.s32 $0x0  }
0x8: {  	[smem:$0x7FF] =	sst s3;
	s5 =	sand.u32 $0x1, s4;
	s6 =	sshll.u32 s2, $0x1  }
0x9: {  	s4 =	sadd.s32 $0x800, s11;
	s31 =	sshrl.u32 s2, $0x2;
	_ =	strace $0x80000047  }
0xa: {  	s8 =	sor.u32 s5, s6;
	s7 =	ssub.s32 $0x2, s5;
	s6 =	smul.u32 $0xC3800, s31  }
0xb: {  	s5 =	sadd.s32 $0xD800, s11;
	s9 =	sshll.u32 s8, $0x7;
	s10 =	sshrl.u32 s7, $0x1  }
0xc: {  	s8 =	sshll.u32 s8, $0xB;
	s9 =	sand.u32 $0x380, s9;
	s12 =	ssub.s32 s7, s10  }
0xd: {  	s7 =	sadd.s32 $0xC00, s11;
	s10 =	sadd.s32 $0xDC00, s11;
	s6 =	sor.u32 s9, s6  }
0xe: {  	s9 =	sadd.s32 $0xDA00, s11;
	s11 =	sadd.s32 $0xDE00, s11;
	s12 =	smax.u32 s12, $0x1  }
.LBB2_1:
0xf: {  	s23 =	simm.s32 $0x0  }
.LBB2_2:
0x10: {  	s24 =	smul.u32 $0x30E000, s23;
	_ =	sdelay $0x1  }
0x11: {  	s24 =	sadd.s32 s6, s24  }
0x12: {  	s24 =	sshrl.u32 s24, $0x3  }
0x13: {  	s31 =	sshll.u32 s23, $0xB;
	s24 =	sadd.s32 s1, s24  }
0x14: {  	[tilespmem:s3], [sflag:$0x1] =	stream.strided.gather [hbm4b:s24+s13], $0x18700, s14, s13, $0x38;
	[tilespmem:$0x1E700] =	vst v63  }
0x15: {  	s25 =	sadd.s32 s4, s31  }
0x16: {  	[tilespmem:s15], [sflag:$0x2] =	stream.linear.gather [hbm4b:s25+s3], $0x2000, $0x38;
	[tilespmem:$0x1E700] =	vst v63  }
0x17: {  	p0 =	seq.s32 s23, $0x0;
	s24 =	sadd.s32 s31, s7  }
0x18: {  	[tilespmem:s16], [sflag:$0x2] =	stream.linear.gather [hbm4b:s24+s3], $0x2000, $0x38;
	[tilespmem:$0x1E700] =	vst v63  }
0x19: {  	s24 =	simm.s32 @!p0 $0x3  }
0x1a: {  	_ =	swait.ge @!p0 [sflag:s24], $0x1000  }
0x1b: {  	[sflag:s24] =	ssyncset.done @!p0 $0x0  }
0x1c: {  	[sflag:s24] =	ssyncadd.s32 @!p0 $0xFFFFF000  }
0x1d: {  	_ =	swait.ge @!p0 [sflag:s24], $0x1000  }
0x1e: {  	[sflag:s24] =	ssyncset.done @!p0 $0x0  }
0x1f: {  	[sflag:s24] =	ssyncadd.s32 @!p0 $0xFFFFF000  }
0x20: {  	_ =	swait.ge [sflag:s17], $0x18700  }
0x21: {  	[sflag:s17] =	ssyncset.done $0x0  }
0x22: {  	[sflag:s17] =	ssyncadd.s32 $0xFFFE7900  }
0x23: {  	_ =	swait.ge [sflag:s18], $0x2000  }
0x24: {  	[sflag:s18] =	ssyncset.done $0x0  }
0x25: {  	s24 =	simm.s32 $0x0;
	[sflag:s18] =	ssyncadd.s32 $0xFFFFE000  }
0x26: {  	v0 =	vld [tilespmem:s24+$0x18700];
	_ =	sdelay $0x5  }
0x27: {  	v1 =	vld [tilespmem:s24+$0x18710];
	_ =	sdelay $0x1  }
0x28: {  	v0 =	vld.idx.msk [tilespmem:v0+s3+$0x0], $0xffff;
	_ =	sdelay $0x4  }
0x29: {  	[tilespmem:s24+$0x1C700] =	vst v0;
	v0 =	vld [tilespmem:s24+$0x18720]  }
0x2a: {  	v1 =	vld.idx.msk [tilespmem:v1+s3+$0x0], $0xffff;
	_ =	sdelay $0x4  }
0x2b: {  	[tilespmem:s24+$0x1C710] =	vst v1;
	v1 =	vld [tilespmem:s24+$0x18730];
	_ =	sdelay $0x1  }
0x2c: {  	v0 =	vld.idx.msk [tilespmem:v0+s3+$0x0], $0xffff;
	_ =	sdelay $0x4  }
0x2d: {  	[tilespmem:s24+$0x1C720] =	vst v0;
	v0 =	vld [tilespmem:s24+$0x18740]  }
0x2e: {  	v1 =	vld.idx.msk [tilespmem:v1+s3+$0x0], $0xffff;
	_ =	sdelay $0x4  }
0x2f: {  	[tilespmem:s24+$0x1C730] =	vst v1;
	v1 =	vld [tilespmem:s24+$0x18750];
	_ =	sdelay $0x1  }
0x30: {  	v0 =	vld.idx.msk [tilespmem:v0+s3+$0x0], $0xffff;
	_ =	sdelay $0x4  }
0x31: {  	[tilespmem:s24+$0x1C740] =	vst v0;
	v0 =	vld [tilespmem:s24+$0x18760]  }
0x32: {  	v1 =	vld.idx.msk [tilespmem:v1+s3+$0x0], $0xffff;
	_ =	sdelay $0x4  }
0x33: {  	[tilespmem:s24+$0x1C750] =	vst v1;
	v1 =	vld [tilespmem:s24+$0x18770];
	_ =	sdelay $0x1  }
0x34: {  	v0 =	vld.idx.msk [tilespmem:v0+s3+$0x0], $0xffff;
	_ =	sdelay $0x4  }
0x35: {  	[tilespmem:s24+$0x1C760] =	vst v0;
	v0 =	vld [tilespmem:s24+$0x18780]  }
0x36: {  	v1 =	vld.idx.msk [tilespmem:v1+s3+$0x0], $0xffff;
	_ =	sdelay $0x4  }
0x37: {  	[tilespmem:s24+$0x1C770] =	vst v1;
	v1 =	vld [tilespmem:s24+$0x18790];
	_ =	sdelay $0x1  }
0x38: {  	v0 =	vld.idx.msk [tilespmem:v0+s3+$0x0], $0xffff;
	_ =	sdelay $0x4  }
0x39: {  	[tilespmem:s24+$0x1C780] =	vst v0;
	v0 =	vld [tilespmem:s24+$0x187A0]  }
0x3a: {  	v1 =	vld.idx.msk [tilespmem:v1+s3+$0x0], $0xffff;
	_ =	sdelay $0x4  }
0x3b: {  	[tilespmem:s24+$0x1C790] =	vst v1;
	v1 =	vld [tilespmem:s24+$0x187B0];
	_ =	sdelay $0x1  }
0x3c: {  	v0 =	vld.idx.msk [tilespmem:v0+s3+$0x0], $0xffff;
	_ =	sdelay $0x4  }
0x3d: {  	[tilespmem:s24+$0x1C7A0] =	vst v0;
	v0 =	vld [tilespmem:s24+$0x187C0]  }
0x3e: {  	v1 =	vld.idx.msk [tilespmem:v1+s3+$0x0], $0xffff;
	_ =	sdelay $0x4  }
0x3f: {  	[tilespmem:s24+$0x1C7B0] =	vst v1;
	v1 =	vld [tilespmem:s24+$0x187D0];
	_ =	sdelay $0x1  }
0x40: {  	v0 =	vld.idx.msk [tilespmem:v0+s3+$0x0], $0xffff;
	_ =	sdelay $0x4  }
0x41: {  	v2 =	vld [tilespmem:s24+$0x187E0];
	[tilespmem:s24+$0x1C7C0] =	vst v0  }
0x42: {  	v0 =	vld.idx.msk [tilespmem:v1+s3+$0x0], $0xffff;
	_ =	sdelay $0x4  }
0x43: {  	[tilespmem:s24+$0x1C7D0] =	vst v0;
	v0 =	vld [tilespmem:s24+$0x187F0];
	_ =	sdelay $0x1  }
0x44: {  	v1 =	vld.idx.msk [tilespmem:v2+s3+$0x0], $0xffff;
	_ =	sdelay $0x3  }
0x45: {  	s26 =	simm.s32 $0x100;
	s25 =	simm.s32 $0x800  }
.LBB2_3:
0x46: {  	p0 =	sne.s32 s25, $0x3C00;
	v2 =	vld [tilespmem:s26+$0x18700];
	[tilespmem:s24+$0x1C7E0] =	vst v1  }
0x47: {  	v0 =	vld.idx.msk [tilespmem:v0+s3+$0x0], $0xffff;
	_ =	sdelay $0x5  }
0x48: {  	v1 =	vld [tilespmem:s26+$0x18710];
	[tilespmem:s24+$0x1C7F0] =	vst v0;
	s24 =	smov.u32 s26  }
0x49: {  	v0 =	vld.idx.msk [tilespmem:v2+s3+$0x0], $0xffff;
	_ =	sdelay $0x5  }
0x4a: {  	[tilespmem:s24+$0x1C700] =	vst v0;
	v0 =	vld [tilespmem:s24+$0x18720]  }
0x4b: {  	v1 =	vld.idx.msk [tilespmem:v1+s3+$0x0], $0xffff;
	_ =	sdelay $0x5  }
0x4c: {  	[tilespmem:s24+$0x1C710] =	vst v1;
	v1 =	vld [tilespmem:s24+$0x18730]  }
0x4d: {  	v0 =	vld.idx.msk [tilespmem:v0+s3+$0x0], $0xffff;
	_ =	sdelay $0x5  }
0x4e: {  	[tilespmem:s24+$0x1C720] =	vst v0;
	v0 =	vld [tilespmem:s24+$0x18740]  }
0x4f: {  	v1 =	vld.idx.msk [tilespmem:v1+s3+$0x0], $0xffff;
	_ =	sdelay $0x5  }
0x50: {  	[tilespmem:s24+$0x1C730] =	vst v1;
	v1 =	vld [tilespmem:s24+$0x18750]  }
0x51: {  	v0 =	vld.idx.msk [tilespmem:v0+s3+$0x0], $0xffff;
	_ =	sdelay $0x5  }
0x52: {  	[tilespmem:s24+$0x1C740] =	vst v0;
	v0 =	vld [tilespmem:s24+$0x18760]  }
0x53: {  	v1 =	vld.idx.msk [tilespmem:v1+s3+$0x0], $0xffff;
	_ =	sdelay $0x5  }
0x54: {  	[tilespmem:s24+$0x1C750] =	vst v1;
	v1 =	vld [tilespmem:s24+$0x18770]  }
0x55: {  	v0 =	vld.idx.msk [tilespmem:v0+s3+$0x0], $0xffff;
	_ =	sdelay $0x5  }
0x56: {  	[tilespmem:s24+$0x1C760] =	vst v0;
	v0 =	vld [tilespmem:s24+$0x18780]  }
0x57: {  	v1 =	vld.idx.msk [tilespmem:v1+s3+$0x0], $0xffff;
	_ =	sdelay $0x5  }
0x58: {  	[tilespmem:s24+$0x1C770] =	vst v1;
	v1 =	vld [tilespmem:s24+$0x18790]  }
0x59: {  	v0 =	vld.idx.msk [tilespmem:v0+s3+$0x0], $0xffff;
	_ =	sdelay $0x5  }
0x5a: {  	[tilespmem:s24+$0x1C780] =	vst v0;
	v0 =	vld [tilespmem:s24+$0x187A0]  }
0x5b: {  	v1 =	vld.idx.msk [tilespmem:v1+s3+$0x0], $0xffff;
	_ =	sdelay $0x5  }
0x5c: {  	[tilespmem:s24+$0x1C790] =	vst v1;
	v1 =	vld [tilespmem:s24+$0x187B0]  }
0x5d: {  	v0 =	vld.idx.msk [tilespmem:v0+s3+$0x0], $0xffff;
	_ =	sdelay $0x5  }
0x5e: {  	[tilespmem:s24+$0x1C7A0] =	vst v0;
	v0 =	vld [tilespmem:s24+$0x187C0]  }
0x5f: {  	v1 =	vld.idx.msk [tilespmem:v1+s3+$0x0], $0xffff;
	_ =	sdelay $0x5  }
0x60: {  	[tilespmem:s24+$0x1C7B0] =	vst v1;
	v1 =	vld [tilespmem:s24+$0x187D0]  }
0x61: {  	v0 =	vld.idx.msk [tilespmem:v0+s3+$0x0], $0xffff;
	_ =	sdelay $0x5  }
0x62: {  	[tilespmem:s24+$0x1C7C0] =	vst v0;
	v2 =	vld [tilespmem:s24+$0x187E0]  }
0x63: {  	v0 =	vld.idx.msk [tilespmem:v1+s3+$0x0], $0xffff;
	_ =	sdelay $0x5  }
0x64: {  	[tilespmem:s24+$0x1C7D0] =	vst v0;
	v0 =	vld [tilespmem:s24+$0x187F0]  }
0x65: {  	v1 =	vld.idx.msk [tilespmem:v2+s3+$0x0], $0xffff  }
.Ltmp0:
0x66: {  	(pc) =	sbr.rel @p0 .LBB2_3-.Ltmp0, $2  }
0x67: {  	_ =	sdelay $0x2  }
0x68: {  	s26 =	sshra.s32 s25, $0x2;
	s25 =	sadd.s32 $0x400, s25  }
0x69: {  	_ =	sdelay $0x1  }
0x6a: {  	v2 =	vld [tilespmem:s26+$0x18700]  }
0x6b: {  	[tilespmem:s24+$0x1C7E0] =	vst v1  }
0x6c: {  	v0 =	vld.idx.msk [tilespmem:v0+s3+$0x0], $0xffff;
	_ =	sdelay $0x3  }
0x6d: {  	v1 =	vld [tilespmem:s26+$0x18710]  }
0x6e: {  	[tilespmem:s24+$0x1C7F0] =	vst v0  }
0x6f: {  	v0 =	vld.idx.msk [tilespmem:v2+s3+$0x0], $0xffff;
	_ =	sdelay $0x4  }
0x70: {  	[tilespmem:s26+$0x1C700] =	vst v0;
	v0 =	vld [tilespmem:s26+$0x18720]  }
0x71: {  	v1 =	vld.idx.msk [tilespmem:v1+s3+$0x0], $0xffff;
	_ =	sdelay $0x4  }
0x72: {  	[tilespmem:s26+$0x1C710] =	vst v1;
	v1 =	vld [tilespmem:s26+$0x18730];
	_ =	sdelay $0x1  }
0x73: {  	v0 =	vld.idx.msk [tilespmem:v0+s3+$0x0], $0xffff;
	_ =	sdelay $0x4  }
0x74: {  	[tilespmem:s26+$0x1C720] =	vst v0;
	v0 =	vld [tilespmem:s26+$0x18740]  }
0x75: {  	v1 =	vld.idx.msk [tilespmem:v1+s3+$0x0], $0xffff;
	_ =	sdelay $0x4  }
0x76: {  	[tilespmem:s26+$0x1C730] =	vst v1;
	v1 =	vld [tilespmem:s26+$0x18750];
	_ =	sdelay $0x1  }
0x77: {  	v0 =	vld.idx.msk [tilespmem:v0+s3+$0x0], $0xffff;
	_ =	sdelay $0x4  }
0x78: {  	[tilespmem:s26+$0x1C740] =	vst v0;
	v0 =	vld [tilespmem:s26+$0x18760]  }
0x79: {  	v1 =	vld.idx.msk [tilespmem:v1+s3+$0x0], $0xffff;
	_ =	sdelay $0x4  }
0x7a: {  	[tilespmem:s26+$0x1C750] =	vst v1;
	v1 =	vld [tilespmem:s26+$0x18770];
	_ =	sdelay $0x1  }
0x7b: {  	v0 =	vld.idx.msk [tilespmem:v0+s3+$0x0], $0xffff;
	_ =	sdelay $0x4  }
0x7c: {  	[tilespmem:s26+$0x1C760] =	vst v0;
	v0 =	vld [tilespmem:s26+$0x18780]  }
0x7d: {  	v1 =	vld.idx.msk [tilespmem:v1+s3+$0x0], $0xffff;
	_ =	sdelay $0x4  }
0x7e: {  	[tilespmem:s26+$0x1C770] =	vst v1;
	v1 =	vld [tilespmem:s26+$0x18790];
	_ =	sdelay $0x1  }
0x7f: {  	v0 =	vld.idx.msk [tilespmem:v0+s3+$0x0], $0xffff;
	_ =	sdelay $0x4  }
0x80: {  	[tilespmem:s26+$0x1C780] =	vst v0;
	v0 =	vld [tilespmem:s26+$0x187A0]  }
0x81: {  	v1 =	vld.idx.msk [tilespmem:v1+s3+$0x0], $0xffff;
	_ =	sdelay $0x4  }
0x82: {  	[tilespmem:s26+$0x1C790] =	vst v1;
	v1 =	vld [tilespmem:s26+$0x187B0];
	_ =	sdelay $0x1  }
0x83: {  	v0 =	vld.idx.msk [tilespmem:v0+s3+$0x0], $0xffff;
	_ =	sdelay $0x4  }
0x84: {  	[tilespmem:s26+$0x1C7A0] =	vst v0;
	v0 =	vld [tilespmem:s26+$0x187C0]  }
0x85: {  	v1 =	vld.idx.msk [tilespmem:v1+s3+$0x0], $0xffff;
	_ =	sdelay $0x4  }
0x86: {  	[tilespmem:s26+$0x1C7B0] =	vst v1;
	v1 =	vld [tilespmem:s26+$0x187D0];
	_ =	sdelay $0x1  }
0x87: {  	v0 =	vld.idx.msk [tilespmem:v0+s3+$0x0], $0xffff;
	_ =	sdelay $0x4  }
0x88: {  	[tilespmem:s26+$0x1C7C0] =	vst v0;
	v0 =	vld [tilespmem:s26+$0x187E0]  }
0x89: {  	v1 =	vld.idx.msk [tilespmem:v1+s3+$0x0], $0xffff;
	_ =	sdelay $0x4  }
0x8a: {  	[tilespmem:s26+$0x1C7D0] =	vst v1;
	v1 =	vld [tilespmem:s26+$0x187F0];
	_ =	sdelay $0x1  }
0x8b: {  	v0 =	vld.idx.msk [tilespmem:v0+s3+$0x0], $0xffff;
	_ =	sdelay $0x4  }
0x8c: {  	[tilespmem:s26+$0x1C7E0] =	vst v0  }
0x8d: {  	v0 =	vld.idx.msk [tilespmem:v1+s3+$0x0], $0xffff;
	_ =	sdelay $0x2  }
0x8e: {  	s30 =	sshll.u32 s23, $0x10  }
0x8f: {  	s24 =	sor.u32 s8, s30  }
0x90: {  	s31 =	simm.s32 $0x0;
	s25 =	sadd.s32 s5, s24;
	[tilespmem:s26+$0x1C7F0] =	vst v0  }
0x91: {  	[hbm4b:s25+s31] =	stream.linear.scatter [tilespmem:s19], [sflag:$0x3], $0x1000, $0x38;
	[tilespmem:$0x1E700] =	vst v63  }
0x92: {  	s25 =	simm.s32 $0x0  }
0x93: {  	v0 =	vld [tilespmem:s25+$0x19700];
	_ =	sdelay $0x5  }
0x94: {  	v1 =	vld [tilespmem:s25+$0x19710];
	_ =	sdelay $0x1  }
0x95: {  	v0 =	vld.idx.msk [tilespmem:v0+s3+$0x0], $0xffff;
	_ =	sdelay $0x4  }
0x96: {  	[tilespmem:s25+$0x1D700] =	vst v0;
	v0 =	vld [tilespmem:s25+$0x19720]  }
0x97: {  	v1 =	vld.idx.msk [tilespmem:v1+s3+$0x0], $0xffff;
	_ =	sdelay $0x4  }
0x98: {  	[tilespmem:s25+$0x1D710] =	vst v1;
	v1 =	vld [tilespmem:s25+$0x19730];
	_ =	sdelay $0x1  }
0x99: {  	v0 =	vld.idx.msk [tilespmem:v0+s3+$0x0], $0xffff;
	_ =	sdelay $0x4  }
0x9a: {  	[tilespmem:s25+$0x1D720] =	vst v0;
	v0 =	vld [tilespmem:s25+$0x19740]  }
0x9b: {  	v1 =	vld.idx.msk [tilespmem:v1+s3+$0x0], $0xffff;
	_ =	sdelay $0x4  }
0x9c: {  	[tilespmem:s25+$0x1D730] =	vst v1;
	v1 =	vld [tilespmem:s25+$0x19750];
	_ =	sdelay $0x1  }
0x9d: {  	v0 =	vld.idx.msk [tilespmem:v0+s3+$0x0], $0xffff;
	_ =	sdelay $0x4  }
0x9e: {  	[tilespmem:s25+$0x1D740] =	vst v0;
	v0 =	vld [tilespmem:s25+$0x19760]  }
0x9f: {  	v1 =	vld.idx.msk [tilespmem:v1+s3+$0x0], $0xffff;
	_ =	sdelay $0x4  }
0xa0: {  	[tilespmem:s25+$0x1D750] =	vst v1;
	v1 =	vld [tilespmem:s25+$0x19770];
	_ =	sdelay $0x1  }
0xa1: {  	v0 =	vld.idx.msk [tilespmem:v0+s3+$0x0], $0xffff;
	_ =	sdelay $0x4  }
0xa2: {  	[tilespmem:s25+$0x1D760] =	vst v0;
	v0 =	vld [tilespmem:s25+$0x19780]  }
0xa3: {  	v1 =	vld.idx.msk [tilespmem:v1+s3+$0x0], $0xffff;
	_ =	sdelay $0x4  }
0xa4: {  	[tilespmem:s25+$0x1D770] =	vst v1;
	v1 =	vld [tilespmem:s25+$0x19790];
	_ =	sdelay $0x1  }
0xa5: {  	v0 =	vld.idx.msk [tilespmem:v0+s3+$0x0], $0xffff;
	_ =	sdelay $0x4  }
0xa6: {  	[tilespmem:s25+$0x1D780] =	vst v0;
	v0 =	vld [tilespmem:s25+$0x197A0]  }
0xa7: {  	v1 =	vld.idx.msk [tilespmem:v1+s3+$0x0], $0xffff;
	_ =	sdelay $0x4  }
0xa8: {  	[tilespmem:s25+$0x1D790] =	vst v1;
	v1 =	vld [tilespmem:s25+$0x197B0];
	_ =	sdelay $0x1  }
0xa9: {  	v0 =	vld.idx.msk [tilespmem:v0+s3+$0x0], $0xffff;
	_ =	sdelay $0x4  }
0xaa: {  	[tilespmem:s25+$0x1D7A0] =	vst v0;
	v0 =	vld [tilespmem:s25+$0x197C0]  }
0xab: {  	v1 =	vld.idx.msk [tilespmem:v1+s3+$0x0], $0xffff;
	_ =	sdelay $0x4  }
0xac: {  	[tilespmem:s25+$0x1D7B0] =	vst v1;
	v1 =	vld [tilespmem:s25+$0x197D0];
	_ =	sdelay $0x1  }
0xad: {  	v0 =	vld.idx.msk [tilespmem:v0+s3+$0x0], $0xffff;
	_ =	sdelay $0x4  }
0xae: {  	v2 =	vld [tilespmem:s25+$0x197E0];
	[tilespmem:s25+$0x1D7C0] =	vst v0  }
0xaf: {  	v0 =	vld.idx.msk [tilespmem:v1+s3+$0x0], $0xffff;
	_ =	sdelay $0x4  }
0xb0: {  	[tilespmem:s25+$0x1D7D0] =	vst v0;
	v0 =	vld [tilespmem:s25+$0x197F0];
	_ =	sdelay $0x1  }
0xb1: {  	v1 =	vld.idx.msk [tilespmem:v2+s3+$0x0], $0xffff;
	_ =	sdelay $0x3  }
0xb2: {  	s28 =	simm.s32 $0x100;
	s26 =	simm.s32 $0x800  }
.LBB2_5:
0xb3: {  	p0 =	sne.s32 s26, $0x3C00;
	v2 =	vld [tilespmem:s28+$0x19700];
	[tilespmem:s25+$0x1D7E0] =	vst v1  }
0xb4: {  	v0 =	vld.idx.msk [tilespmem:v0+s3+$0x0], $0xffff;
	_ =	sdelay $0x5  }
0xb5: {  	v1 =	vld [tilespmem:s28+$0x19710];
	[tilespmem:s25+$0x1D7F0] =	vst v0;
	s25 =	smov.u32 s28  }
0xb6: {  	v0 =	vld.idx.msk [tilespmem:v2+s3+$0x0], $0xffff;
	_ =	sdelay $0x5  }
0xb7: {  	[tilespmem:s25+$0x1D700] =	vst v0;
	v0 =	vld [tilespmem:s25+$0x19720]  }
0xb8: {  	v1 =	vld.idx.msk [tilespmem:v1+s3+$0x0], $0xffff;
	_ =	sdelay $0x5  }
0xb9: {  	[tilespmem:s25+$0x1D710] =	vst v1;
	v1 =	vld [tilespmem:s25+$0x19730]  }
0xba: {  	v0 =	vld.idx.msk [tilespmem:v0+s3+$0x0], $0xffff;
	_ =	sdelay $0x5  }
0xbb: {  	[tilespmem:s25+$0x1D720] =	vst v0;
	v0 =	vld [tilespmem:s25+$0x19740]  }
0xbc: {  	v1 =	vld.idx.msk [tilespmem:v1+s3+$0x0], $0xffff;
	_ =	sdelay $0x5  }
0xbd: {  	[tilespmem:s25+$0x1D730] =	vst v1;
	v1 =	vld [tilespmem:s25+$0x19750]  }
0xbe: {  	v0 =	vld.idx.msk [tilespmem:v0+s3+$0x0], $0xffff;
	_ =	sdelay $0x5  }
0xbf: {  	[tilespmem:s25+$0x1D740] =	vst v0;
	v0 =	vld [tilespmem:s25+$0x19760]  }
0xc0: {  	v1 =	vld.idx.msk [tilespmem:v1+s3+$0x0], $0xffff;
	_ =	sdelay $0x5  }
0xc1: {  	[tilespmem:s25+$0x1D750] =	vst v1;
	v1 =	vld [tilespmem:s25+$0x19770]  }
0xc2: {  	v0 =	vld.idx.msk [tilespmem:v0+s3+$0x0], $0xffff;
	_ =	sdelay $0x5  }
0xc3: {  	[tilespmem:s25+$0x1D760] =	vst v0;
	v0 =	vld [tilespmem:s25+$0x19780]  }
0xc4: {  	v1 =	vld.idx.msk [tilespmem:v1+s3+$0x0], $0xffff;
	_ =	sdelay $0x5  }
0xc5: {  	[tilespmem:s25+$0x1D770] =	vst v1;
	v1 =	vld [tilespmem:s25+$0x19790]  }
0xc6: {  	v0 =	vld.idx.msk [tilespmem:v0+s3+$0x0], $0xffff;
	_ =	sdelay $0x5  }
0xc7: {  	[tilespmem:s25+$0x1D780] =	vst v0;
	v0 =	vld [tilespmem:s25+$0x197A0]  }
0xc8: {  	v1 =	vld.idx.msk [tilespmem:v1+s3+$0x0], $0xffff;
	_ =	sdelay $0x5  }
0xc9: {  	[tilespmem:s25+$0x1D790] =	vst v1;
	v1 =	vld [tilespmem:s25+$0x197B0]  }
0xca: {  	v0 =	vld.idx.msk [tilespmem:v0+s3+$0x0], $0xffff;
	_ =	sdelay $0x5  }
0xcb: {  	[tilespmem:s25+$0x1D7A0] =	vst v0;
	v0 =	vld [tilespmem:s25+$0x197C0]  }
0xcc: {  	v1 =	vld.idx.msk [tilespmem:v1+s3+$0x0], $0xffff;
	_ =	sdelay $0x5  }
0xcd: {  	[tilespmem:s25+$0x1D7B0] =	vst v1;
	v1 =	vld [tilespmem:s25+$0x197D0]  }
0xce: {  	v0 =	vld.idx.msk [tilespmem:v0+s3+$0x0], $0xffff;
	_ =	sdelay $0x5  }
0xcf: {  	[tilespmem:s25+$0x1D7C0] =	vst v0;
	v2 =	vld [tilespmem:s25+$0x197E0]  }
0xd0: {  	v0 =	vld.idx.msk [tilespmem:v1+s3+$0x0], $0xffff;
	_ =	sdelay $0x5  }
0xd1: {  	[tilespmem:s25+$0x1D7D0] =	vst v0;
	v0 =	vld [tilespmem:s25+$0x197F0]  }
0xd2: {  	v1 =	vld.idx.msk [tilespmem:v2+s3+$0x0], $0xffff  }
.Ltmp1:
0xd3: {  	(pc) =	sbr.rel @p0 .LBB2_5-.Ltmp1, $2  }
0xd4: {  	_ =	sdelay $0x2  }
0xd5: {  	s28 =	sshra.s32 s26, $0x2;
	s26 =	sadd.s32 $0x400, s26  }
0xd6: {  	_ =	sdelay $0x1  }
0xd7: {  	v2 =	vld [tilespmem:s28+$0x19700]  }
0xd8: {  	[tilespmem:s25+$0x1D7E0] =	vst v1  }
0xd9: {  	v0 =	vld.idx.msk [tilespmem:v0+s3+$0x0], $0xffff;
	_ =	sdelay $0x3  }
0xda: {  	v1 =	vld [tilespmem:s28+$0x19710]  }
0xdb: {  	[tilespmem:s25+$0x1D7F0] =	vst v0  }
0xdc: {  	v0 =	vld.idx.msk [tilespmem:v2+s3+$0x0], $0xffff;
	_ =	sdelay $0x4  }
0xdd: {  	[tilespmem:s28+$0x1D700] =	vst v0;
	v0 =	vld [tilespmem:s28+$0x19720]  }
0xde: {  	v1 =	vld.idx.msk [tilespmem:v1+s3+$0x0], $0xffff;
	_ =	sdelay $0x4  }
0xdf: {  	[tilespmem:s28+$0x1D710] =	vst v1;
	v1 =	vld [tilespmem:s28+$0x19730];
	_ =	sdelay $0x1  }
0xe0: {  	v0 =	vld.idx.msk [tilespmem:v0+s3+$0x0], $0xffff;
	_ =	sdelay $0x4  }
0xe1: {  	[tilespmem:s28+$0x1D720] =	vst v0;
	v0 =	vld [tilespmem:s28+$0x19740]  }
0xe2: {  	v1 =	vld.idx.msk [tilespmem:v1+s3+$0x0], $0xffff;
	_ =	sdelay $0x4  }
0xe3: {  	[tilespmem:s28+$0x1D730] =	vst v1;
	v1 =	vld [tilespmem:s28+$0x19750];
	_ =	sdelay $0x1  }
0xe4: {  	v0 =	vld.idx.msk [tilespmem:v0+s3+$0x0], $0xffff;
	_ =	sdelay $0x4  }
0xe5: {  	[tilespmem:s28+$0x1D740] =	vst v0;
	v0 =	vld [tilespmem:s28+$0x19760]  }
0xe6: {  	v1 =	vld.idx.msk [tilespmem:v1+s3+$0x0], $0xffff;
	_ =	sdelay $0x4  }
0xe7: {  	[tilespmem:s28+$0x1D750] =	vst v1;
	v1 =	vld [tilespmem:s28+$0x19770];
	_ =	sdelay $0x1  }
0xe8: {  	v0 =	vld.idx.msk [tilespmem:v0+s3+$0x0], $0xffff;
	_ =	sdelay $0x4  }
0xe9: {  	[tilespmem:s28+$0x1D760] =	vst v0;
	v0 =	vld [tilespmem:s28+$0x19780]  }
0xea: {  	v1 =	vld.idx.msk [tilespmem:v1+s3+$0x0], $0xffff;
	_ =	sdelay $0x4  }
0xeb: {  	[tilespmem:s28+$0x1D770] =	vst v1;
	v1 =	vld [tilespmem:s28+$0x19790];
	_ =	sdelay $0x1  }
0xec: {  	v0 =	vld.idx.msk [tilespmem:v0+s3+$0x0], $0xffff;
	_ =	sdelay $0x4  }
0xed: {  	[tilespmem:s28+$0x1D780] =	vst v0;
	v0 =	vld [tilespmem:s28+$0x197A0]  }
0xee: {  	v1 =	vld.idx.msk [tilespmem:v1+s3+$0x0], $0xffff;
	_ =	sdelay $0x4  }
0xef: {  	[tilespmem:s28+$0x1D790] =	vst v1;
	v1 =	vld [tilespmem:s28+$0x197B0];
	_ =	sdelay $0x1  }
0xf0: {  	v0 =	vld.idx.msk [tilespmem:v0+s3+$0x0], $0xffff;
	_ =	sdelay $0x4  }
0xf1: {  	[tilespmem:s28+$0x1D7A0] =	vst v0;
	v0 =	vld [tilespmem:s28+$0x197C0]  }
0xf2: {  	v1 =	vld.idx.msk [tilespmem:v1+s3+$0x0], $0xffff;
	_ =	sdelay $0x4  }
0xf3: {  	[tilespmem:s28+$0x1D7B0] =	vst v1;
	v1 =	vld [tilespmem:s28+$0x197D0];
	_ =	sdelay $0x1  }
0xf4: {  	v0 =	vld.idx.msk [tilespmem:v0+s3+$0x0], $0xffff;
	_ =	sdelay $0x4  }
0xf5: {  	[tilespmem:s28+$0x1D7C0] =	vst v0;
	v0 =	vld [tilespmem:s28+$0x197E0]  }
0xf6: {  	v1 =	vld.idx.msk [tilespmem:v1+s3+$0x0], $0xffff;
	_ =	sdelay $0x4  }
0xf7: {  	[tilespmem:s28+$0x1D7D0] =	vst v1;
	v1 =	vld [tilespmem:s28+$0x197F0];
	_ =	sdelay $0x1  }
0xf8: {  	v0 =	vld.idx.msk [tilespmem:v0+s3+$0x0], $0xffff;
	_ =	sdelay $0x4  }
0xf9: {  	[tilespmem:s28+$0x1D7E0] =	vst v0  }
0xfa: {  	v0 =	vld.idx.msk [tilespmem:v1+s3+$0x0], $0xffff;
	_ =	sdelay $0x4  }
0xfb: {  	s31 =	sadd.s32 s24, s9;
	s26 =	simm.s32 $0x0;
	[tilespmem:s28+$0x1D7F0] =	vst v0  }
0xfc: {  	[hbm4b:s31+s26] =	stream.linear.scatter [tilespmem:s20], [sflag:$0x3], $0x1000, $0x38;
	[tilespmem:$0x1E700] =	vst v63  }
0xfd: {  	_ =	swait.ge [sflag:s18], $0x2000  }
0xfe: {  	[sflag:s18] =	ssyncset.done $0x0  }
0xff: {  	[sflag:s18] =	ssyncadd.s32 $0xFFFFE000  }
0x100: {  	_ =	swait.ge [sflag:s21], $0x1000  }
0x101: {  	[sflag:s21] =	ssyncset.done $0x0  }
0x102: {  	s25 =	simm.s32 $0x0;
	[sflag:s21] =	ssyncadd.s32 $0xFFFFF000  }
0x103: {  	v0 =	vld [tilespmem:s25+$0x1A700];
	_ =	sdelay $0x5  }
0x104: {  	v1 =	vld [tilespmem:s25+$0x1A710];
	_ =	sdelay $0x1  }
0x105: {  	v0 =	vld.idx.msk [tilespmem:v0+s3+$0x0], $0xffff;
	_ =	sdelay $0x4  }
0x106: {  	[tilespmem:s25+$0x1C700] =	vst v0;
	v0 =	vld [tilespmem:s25+$0x1A720]  }
0x107: {  	v1 =	vld.idx.msk [tilespmem:v1+s3+$0x0], $0xffff;
	_ =	sdelay $0x4  }
0x108: {  	[tilespmem:s25+$0x1C710] =	vst v1;
	v1 =	vld [tilespmem:s25+$0x1A730];
	_ =	sdelay $0x1  }
0x109: {  	v0 =	vld.idx.msk [tilespmem:v0+s3+$0x0], $0xffff;
	_ =	sdelay $0x4  }
0x10a: {  	[tilespmem:s25+$0x1C720] =	vst v0;
	v0 =	vld [tilespmem:s25+$0x1A740]  }
0x10b: {  	v1 =	vld.idx.msk [tilespmem:v1+s3+$0x0], $0xffff;
	_ =	sdelay $0x4  }
0x10c: {  	[tilespmem:s25+$0x1C730] =	vst v1;
	v1 =	vld [tilespmem:s25+$0x1A750];
	_ =	sdelay $0x1  }
0x10d: {  	v0 =	vld.idx.msk [tilespmem:v0+s3+$0x0], $0xffff;
	_ =	sdelay $0x4  }
0x10e: {  	[tilespmem:s25+$0x1C740] =	vst v0;
	v0 =	vld [tilespmem:s25+$0x1A760]  }
0x10f: {  	v1 =	vld.idx.msk [tilespmem:v1+s3+$0x0], $0xffff;
	_ =	sdelay $0x4  }
0x110: {  	[tilespmem:s25+$0x1C750] =	vst v1;
	v1 =	vld [tilespmem:s25+$0x1A770];
	_ =	sdelay $0x1  }
0x111: {  	v0 =	vld.idx.msk [tilespmem:v0+s3+$0x0], $0xffff;
	_ =	sdelay $0x4  }
0x112: {  	[tilespmem:s25+$0x1C760] =	vst v0;
	v0 =	vld [tilespmem:s25+$0x1A780]  }
0x113: {  	v1 =	vld.idx.msk [tilespmem:v1+s3+$0x0], $0xffff;
	_ =	sdelay $0x4  }
0x114: {  	[tilespmem:s25+$0x1C770] =	vst v1;
	v1 =	vld [tilespmem:s25+$0x1A790];
	_ =	sdelay $0x1  }
0x115: {  	v0 =	vld.idx.msk [tilespmem:v0+s3+$0x0], $0xffff;
	_ =	sdelay $0x4  }
0x116: {  	[tilespmem:s25+$0x1C780] =	vst v0;
	v0 =	vld [tilespmem:s25+$0x1A7A0]  }
0x117: {  	v1 =	vld.idx.msk [tilespmem:v1+s3+$0x0], $0xffff;
	_ =	sdelay $0x4  }
0x118: {  	[tilespmem:s25+$0x1C790] =	vst v1;
	v1 =	vld [tilespmem:s25+$0x1A7B0];
	_ =	sdelay $0x1  }
0x119: {  	v0 =	vld.idx.msk [tilespmem:v0+s3+$0x0], $0xffff;
	_ =	sdelay $0x4  }
0x11a: {  	[tilespmem:s25+$0x1C7A0] =	vst v0;
	v0 =	vld [tilespmem:s25+$0x1A7C0]  }
0x11b: {  	v1 =	vld.idx.msk [tilespmem:v1+s3+$0x0], $0xffff;
	_ =	sdelay $0x4  }
0x11c: {  	[tilespmem:s25+$0x1C7B0] =	vst v1;
	v1 =	vld [tilespmem:s25+$0x1A7D0];
	_ =	sdelay $0x1  }
0x11d: {  	v0 =	vld.idx.msk [tilespmem:v0+s3+$0x0], $0xffff;
	_ =	sdelay $0x4  }
0x11e: {  	v2 =	vld [tilespmem:s25+$0x1A7E0];
	[tilespmem:s25+$0x1C7C0] =	vst v0  }
0x11f: {  	v0 =	vld.idx.msk [tilespmem:v1+s3+$0x0], $0xffff;
	_ =	sdelay $0x4  }
0x120: {  	[tilespmem:s25+$0x1C7D0] =	vst v0;
	v0 =	vld [tilespmem:s25+$0x1A7F0];
	_ =	sdelay $0x1  }
0x121: {  	v1 =	vld.idx.msk [tilespmem:v2+s3+$0x0], $0xffff;
	_ =	sdelay $0x3  }
0x122: {  	s28 =	simm.s32 $0x100;
	s26 =	simm.s32 $0x800  }
.LBB2_7:
0x123: {  	p0 =	sne.s32 s26, $0x3C00;
	v2 =	vld [tilespmem:s28+$0x1A700];
	[tilespmem:s25+$0x1C7E0] =	vst v1  }
0x124: {  	v0 =	vld.idx.msk [tilespmem:v0+s3+$0x0], $0xffff;
	_ =	sdelay $0x5  }
0x125: {  	v1 =	vld [tilespmem:s28+$0x1A710];
	[tilespmem:s25+$0x1C7F0] =	vst v0;
	s25 =	smov.u32 s28  }
0x126: {  	v0 =	vld.idx.msk [tilespmem:v2+s3+$0x0], $0xffff;
	_ =	sdelay $0x5  }
0x127: {  	[tilespmem:s25+$0x1C700] =	vst v0;
	v0 =	vld [tilespmem:s25+$0x1A720]  }
0x128: {  	v1 =	vld.idx.msk [tilespmem:v1+s3+$0x0], $0xffff;
	_ =	sdelay $0x5  }
0x129: {  	[tilespmem:s25+$0x1C710] =	vst v1;
	v1 =	vld [tilespmem:s25+$0x1A730]  }
0x12a: {  	v0 =	vld.idx.msk [tilespmem:v0+s3+$0x0], $0xffff;
	_ =	sdelay $0x5  }
0x12b: {  	[tilespmem:s25+$0x1C720] =	vst v0;
	v0 =	vld [tilespmem:s25+$0x1A740]  }
0x12c: {  	v1 =	vld.idx.msk [tilespmem:v1+s3+$0x0], $0xffff;
	_ =	sdelay $0x5  }
0x12d: {  	[tilespmem:s25+$0x1C730] =	vst v1;
	v1 =	vld [tilespmem:s25+$0x1A750]  }
0x12e: {  	v0 =	vld.idx.msk [tilespmem:v0+s3+$0x0], $0xffff;
	_ =	sdelay $0x5  }
0x12f: {  	[tilespmem:s25+$0x1C740] =	vst v0;
	v0 =	vld [tilespmem:s25+$0x1A760]  }
0x130: {  	v1 =	vld.idx.msk [tilespmem:v1+s3+$0x0], $0xffff;
	_ =	sdelay $0x5  }
0x131: {  	[tilespmem:s25+$0x1C750] =	vst v1;
	v1 =	vld [tilespmem:s25+$0x1A770]  }
0x132: {  	v0 =	vld.idx.msk [tilespmem:v0+s3+$0x0], $0xffff;
	_ =	sdelay $0x5  }
0x133: {  	[tilespmem:s25+$0x1C760] =	vst v0;
	v0 =	vld [tilespmem:s25+$0x1A780]  }
0x134: {  	v1 =	vld.idx.msk [tilespmem:v1+s3+$0x0], $0xffff;
	_ =	sdelay $0x5  }
0x135: {  	[tilespmem:s25+$0x1C770] =	vst v1;
	v1 =	vld [tilespmem:s25+$0x1A790]  }
0x136: {  	v0 =	vld.idx.msk [tilespmem:v0+s3+$0x0], $0xffff;
	_ =	sdelay $0x5  }
0x137: {  	[tilespmem:s25+$0x1C780] =	vst v0;
	v0 =	vld [tilespmem:s25+$0x1A7A0]  }
0x138: {  	v1 =	vld.idx.msk [tilespmem:v1+s3+$0x0], $0xffff;
	_ =	sdelay $0x5  }
0x139: {  	[tilespmem:s25+$0x1C790] =	vst v1;
	v1 =	vld [tilespmem:s25+$0x1A7B0]  }
0x13a: {  	v0 =	vld.idx.msk [tilespmem:v0+s3+$0x0], $0xffff;
	_ =	sdelay $0x5  }
0x13b: {  	[tilespmem:s25+$0x1C7A0] =	vst v0;
	v0 =	vld [tilespmem:s25+$0x1A7C0]  }
0x13c: {  	v1 =	vld.idx.msk [tilespmem:v1+s3+$0x0], $0xffff;
	_ =	sdelay $0x5  }
0x13d: {  	[tilespmem:s25+$0x1C7B0] =	vst v1;
	v1 =	vld [tilespmem:s25+$0x1A7D0]  }
0x13e: {  	v0 =	vld.idx.msk [tilespmem:v0+s3+$0x0], $0xffff;
	_ =	sdelay $0x5  }
0x13f: {  	[tilespmem:s25+$0x1C7C0] =	vst v0;
	v2 =	vld [tilespmem:s25+$0x1A7E0]  }
0x140: {  	v0 =	vld.idx.msk [tilespmem:v1+s3+$0x0], $0xffff;
	_ =	sdelay $0x5  }
0x141: {  	[tilespmem:s25+$0x1C7D0] =	vst v0;
	v0 =	vld [tilespmem:s25+$0x1A7F0]  }
0x142: {  	v1 =	vld.idx.msk [tilespmem:v2+s3+$0x0], $0xffff  }
.Ltmp2:
0x143: {  	(pc) =	sbr.rel @p0 .LBB2_7-.Ltmp2, $2  }
0x144: {  	_ =	sdelay $0x2  }
0x145: {  	s28 =	sshra.s32 s26, $0x2;
	s26 =	sadd.s32 $0x400, s26  }
0x146: {  	_ =	sdelay $0x1  }
0x147: {  	v2 =	vld [tilespmem:s28+$0x1A700]  }
0x148: {  	[tilespmem:s25+$0x1C7E0] =	vst v1  }
0x149: {  	v0 =	vld.idx.msk [tilespmem:v0+s3+$0x0], $0xffff;
	_ =	sdelay $0x3  }
0x14a: {  	v1 =	vld [tilespmem:s28+$0x1A710]  }
0x14b: {  	[tilespmem:s25+$0x1C7F0] =	vst v0  }
0x14c: {  	v0 =	vld.idx.msk [tilespmem:v2+s3+$0x0], $0xffff;
	_ =	sdelay $0x4  }
0x14d: {  	[tilespmem:s28+$0x1C700] =	vst v0;
	v0 =	vld [tilespmem:s28+$0x1A720]  }
0x14e: {  	v1 =	vld.idx.msk [tilespmem:v1+s3+$0x0], $0xffff;
	_ =	sdelay $0x4  }
0x14f: {  	[tilespmem:s28+$0x1C710] =	vst v1;
	v1 =	vld [tilespmem:s28+$0x1A730];
	_ =	sdelay $0x1  }
0x150: {  	v0 =	vld.idx.msk [tilespmem:v0+s3+$0x0], $0xffff;
	_ =	sdelay $0x4  }
0x151: {  	[tilespmem:s28+$0x1C720] =	vst v0;
	v0 =	vld [tilespmem:s28+$0x1A740]  }
0x152: {  	v1 =	vld.idx.msk [tilespmem:v1+s3+$0x0], $0xffff;
	_ =	sdelay $0x4  }
0x153: {  	[tilespmem:s28+$0x1C730] =	vst v1;
	v1 =	vld [tilespmem:s28+$0x1A750];
	_ =	sdelay $0x1  }
0x154: {  	v0 =	vld.idx.msk [tilespmem:v0+s3+$0x0], $0xffff;
	_ =	sdelay $0x4  }
0x155: {  	[tilespmem:s28+$0x1C740] =	vst v0;
	v0 =	vld [tilespmem:s28+$0x1A760]  }
0x156: {  	v1 =	vld.idx.msk [tilespmem:v1+s3+$0x0], $0xffff;
	_ =	sdelay $0x4  }
0x157: {  	[tilespmem:s28+$0x1C750] =	vst v1;
	v1 =	vld [tilespmem:s28+$0x1A770];
	_ =	sdelay $0x1  }
0x158: {  	v0 =	vld.idx.msk [tilespmem:v0+s3+$0x0], $0xffff;
	_ =	sdelay $0x4  }
0x159: {  	[tilespmem:s28+$0x1C760] =	vst v0;
	v0 =	vld [tilespmem:s28+$0x1A780]  }
0x15a: {  	v1 =	vld.idx.msk [tilespmem:v1+s3+$0x0], $0xffff;
	_ =	sdelay $0x4  }
0x15b: {  	[tilespmem:s28+$0x1C770] =	vst v1;
	v1 =	vld [tilespmem:s28+$0x1A790];
	_ =	sdelay $0x1  }
0x15c: {  	v0 =	vld.idx.msk [tilespmem:v0+s3+$0x0], $0xffff;
	_ =	sdelay $0x4  }
0x15d: {  	[tilespmem:s28+$0x1C780] =	vst v0;
	v0 =	vld [tilespmem:s28+$0x1A7A0]  }
0x15e: {  	v1 =	vld.idx.msk [tilespmem:v1+s3+$0x0], $0xffff;
	_ =	sdelay $0x4  }
0x15f: {  	[tilespmem:s28+$0x1C790] =	vst v1;
	v1 =	vld [tilespmem:s28+$0x1A7B0];
	_ =	sdelay $0x1  }
0x160: {  	v0 =	vld.idx.msk [tilespmem:v0+s3+$0x0], $0xffff;
	_ =	sdelay $0x4  }
0x161: {  	[tilespmem:s28+$0x1C7A0] =	vst v0;
	v0 =	vld [tilespmem:s28+$0x1A7C0]  }
0x162: {  	v1 =	vld.idx.msk [tilespmem:v1+s3+$0x0], $0xffff;
	_ =	sdelay $0x4  }
0x163: {  	[tilespmem:s28+$0x1C7B0] =	vst v1;
	v1 =	vld [tilespmem:s28+$0x1A7D0];
	_ =	sdelay $0x1  }
0x164: {  	v0 =	vld.idx.msk [tilespmem:v0+s3+$0x0], $0xffff;
	_ =	sdelay $0x4  }
0x165: {  	[tilespmem:s28+$0x1C7C0] =	vst v0;
	v0 =	vld [tilespmem:s28+$0x1A7E0]  }
0x166: {  	v1 =	vld.idx.msk [tilespmem:v1+s3+$0x0], $0xffff;
	_ =	sdelay $0x4  }
0x167: {  	[tilespmem:s28+$0x1C7D0] =	vst v1;
	v1 =	vld [tilespmem:s28+$0x1A7F0];
	_ =	sdelay $0x1  }
0x168: {  	v0 =	vld.idx.msk [tilespmem:v0+s3+$0x0], $0xffff;
	_ =	sdelay $0x4  }
0x169: {  	[tilespmem:s28+$0x1C7E0] =	vst v0  }
0x16a: {  	v0 =	vld.idx.msk [tilespmem:v1+s3+$0x0], $0xffff;
	_ =	sdelay $0x4  }
0x16b: {  	s31 =	sadd.s32 s24, s10;
	s26 =	simm.s32 $0x0;
	[tilespmem:s28+$0x1C7F0] =	vst v0  }
0x16c: {  	[hbm4b:s31+s26] =	stream.linear.scatter [tilespmem:s19], [sflag:$0x3], $0x1000, $0x38;
	[tilespmem:$0x1E700] =	vst v63  }
0x16d: {  	_ =	swait.ge [sflag:s21], $0x1000  }
0x16e: {  	[sflag:s21] =	ssyncset.done $0x0  }
0x16f: {  	s25 =	simm.s32 $0x0;
	[sflag:s21] =	ssyncadd.s32 $0xFFFFF000  }
0x170: {  	v0 =	vld [tilespmem:s25+$0x1B700];
	_ =	sdelay $0x5  }
0x171: {  	v1 =	vld [tilespmem:s25+$0x1B710];
	_ =	sdelay $0x1  }
0x172: {  	v0 =	vld.idx.msk [tilespmem:v0+s3+$0x0], $0xffff;
	_ =	sdelay $0x4  }
0x173: {  	[tilespmem:s25+$0x1D700] =	vst v0;
	v0 =	vld [tilespmem:s25+$0x1B720]  }
0x174: {  	v1 =	vld.idx.msk [tilespmem:v1+s3+$0x0], $0xffff;
	_ =	sdelay $0x4  }
0x175: {  	[tilespmem:s25+$0x1D710] =	vst v1;
	v1 =	vld [tilespmem:s25+$0x1B730];
	_ =	sdelay $0x1  }
0x176: {  	v0 =	vld.idx.msk [tilespmem:v0+s3+$0x0], $0xffff;
	_ =	sdelay $0x4  }
0x177: {  	[tilespmem:s25+$0x1D720] =	vst v0;
	v0 =	vld [tilespmem:s25+$0x1B740]  }
0x178: {  	v1 =	vld.idx.msk [tilespmem:v1+s3+$0x0], $0xffff;
	_ =	sdelay $0x4  }
0x179: {  	[tilespmem:s25+$0x1D730] =	vst v1;
	v1 =	vld [tilespmem:s25+$0x1B750];
	_ =	sdelay $0x1  }
0x17a: {  	v0 =	vld.idx.msk [tilespmem:v0+s3+$0x0], $0xffff;
	_ =	sdelay $0x4  }
0x17b: {  	[tilespmem:s25+$0x1D740] =	vst v0;
	v0 =	vld [tilespmem:s25+$0x1B760]  }
0x17c: {  	v1 =	vld.idx.msk [tilespmem:v1+s3+$0x0], $0xffff;
	_ =	sdelay $0x4  }
0x17d: {  	[tilespmem:s25+$0x1D750] =	vst v1;
	v1 =	vld [tilespmem:s25+$0x1B770];
	_ =	sdelay $0x1  }
0x17e: {  	v0 =	vld.idx.msk [tilespmem:v0+s3+$0x0], $0xffff;
	_ =	sdelay $0x4  }
0x17f: {  	[tilespmem:s25+$0x1D760] =	vst v0;
	v0 =	vld [tilespmem:s25+$0x1B780]  }
0x180: {  	v1 =	vld.idx.msk [tilespmem:v1+s3+$0x0], $0xffff;
	_ =	sdelay $0x4  }
0x181: {  	[tilespmem:s25+$0x1D770] =	vst v1;
	v1 =	vld [tilespmem:s25+$0x1B790];
	_ =	sdelay $0x1  }
0x182: {  	v0 =	vld.idx.msk [tilespmem:v0+s3+$0x0], $0xffff;
	_ =	sdelay $0x4  }
0x183: {  	[tilespmem:s25+$0x1D780] =	vst v0;
	v0 =	vld [tilespmem:s25+$0x1B7A0]  }
0x184: {  	v1 =	vld.idx.msk [tilespmem:v1+s3+$0x0], $0xffff;
	_ =	sdelay $0x4  }
0x185: {  	[tilespmem:s25+$0x1D790] =	vst v1;
	v1 =	vld [tilespmem:s25+$0x1B7B0];
	_ =	sdelay $0x1  }
0x186: {  	v0 =	vld.idx.msk [tilespmem:v0+s3+$0x0], $0xffff;
	_ =	sdelay $0x4  }
0x187: {  	[tilespmem:s25+$0x1D7A0] =	vst v0;
	v0 =	vld [tilespmem:s25+$0x1B7C0]  }
0x188: {  	v1 =	vld.idx.msk [tilespmem:v1+s3+$0x0], $0xffff;
	_ =	sdelay $0x4  }
0x189: {  	[tilespmem:s25+$0x1D7B0] =	vst v1;
	v1 =	vld [tilespmem:s25+$0x1B7D0];
	_ =	sdelay $0x1  }
0x18a: {  	v0 =	vld.idx.msk [tilespmem:v0+s3+$0x0], $0xffff;
	_ =	sdelay $0x4  }
0x18b: {  	v2 =	vld [tilespmem:s25+$0x1B7E0];
	[tilespmem:s25+$0x1D7C0] =	vst v0  }
0x18c: {  	v0 =	vld.idx.msk [tilespmem:v1+s3+$0x0], $0xffff;
	_ =	sdelay $0x4  }
0x18d: {  	[tilespmem:s25+$0x1D7D0] =	vst v0;
	v0 =	vld [tilespmem:s25+$0x1B7F0];
	_ =	sdelay $0x1  }
0x18e: {  	v1 =	vld.idx.msk [tilespmem:v2+s3+$0x0], $0xffff;
	_ =	sdelay $0x3  }
0x18f: {  	s28 =	simm.s32 $0x100;
	s26 =	simm.s32 $0x800  }
.LBB2_9:
0x190: {  	p0 =	sne.s32 s26, $0x3C00;
	v2 =	vld [tilespmem:s28+$0x1B700];
	[tilespmem:s25+$0x1D7E0] =	vst v1  }
0x191: {  	v0 =	vld.idx.msk [tilespmem:v0+s3+$0x0], $0xffff;
	_ =	sdelay $0x5  }
0x192: {  	v1 =	vld [tilespmem:s28+$0x1B710];
	[tilespmem:s25+$0x1D7F0] =	vst v0;
	s25 =	smov.u32 s28  }
0x193: {  	v0 =	vld.idx.msk [tilespmem:v2+s3+$0x0], $0xffff;
	_ =	sdelay $0x5  }
0x194: {  	[tilespmem:s25+$0x1D700] =	vst v0;
	v0 =	vld [tilespmem:s25+$0x1B720]  }
0x195: {  	v1 =	vld.idx.msk [tilespmem:v1+s3+$0x0], $0xffff;
	_ =	sdelay $0x5  }
0x196: {  	[tilespmem:s25+$0x1D710] =	vst v1;
	v1 =	vld [tilespmem:s25+$0x1B730]  }
0x197: {  	v0 =	vld.idx.msk [tilespmem:v0+s3+$0x0], $0xffff;
	_ =	sdelay $0x5  }
0x198: {  	[tilespmem:s25+$0x1D720] =	vst v0;
	v0 =	vld [tilespmem:s25+$0x1B740]  }
0x199: {  	v1 =	vld.idx.msk [tilespmem:v1+s3+$0x0], $0xffff;
	_ =	sdelay $0x5  }
0x19a: {  	[tilespmem:s25+$0x1D730] =	vst v1;
	v1 =	vld [tilespmem:s25+$0x1B750]  }
0x19b: {  	v0 =	vld.idx.msk [tilespmem:v0+s3+$0x0], $0xffff;
	_ =	sdelay $0x5  }
0x19c: {  	[tilespmem:s25+$0x1D740] =	vst v0;
	v0 =	vld [tilespmem:s25+$0x1B760]  }
0x19d: {  	v1 =	vld.idx.msk [tilespmem:v1+s3+$0x0], $0xffff;
	_ =	sdelay $0x5  }
0x19e: {  	[tilespmem:s25+$0x1D750] =	vst v1;
	v1 =	vld [tilespmem:s25+$0x1B770]  }
0x19f: {  	v0 =	vld.idx.msk [tilespmem:v0+s3+$0x0], $0xffff;
	_ =	sdelay $0x5  }
0x1a0: {  	[tilespmem:s25+$0x1D760] =	vst v0;
	v0 =	vld [tilespmem:s25+$0x1B780]  }
0x1a1: {  	v1 =	vld.idx.msk [tilespmem:v1+s3+$0x0], $0xffff;
	_ =	sdelay $0x5  }
0x1a2: {  	[tilespmem:s25+$0x1D770] =	vst v1;
	v1 =	vld [tilespmem:s25+$0x1B790]  }
0x1a3: {  	v0 =	vld.idx.msk [tilespmem:v0+s3+$0x0], $0xffff;
	_ =	sdelay $0x5  }
0x1a4: {  	[tilespmem:s25+$0x1D780] =	vst v0;
	v0 =	vld [tilespmem:s25+$0x1B7A0]  }
0x1a5: {  	v1 =	vld.idx.msk [tilespmem:v1+s3+$0x0], $0xffff;
	_ =	sdelay $0x5  }
0x1a6: {  	[tilespmem:s25+$0x1D790] =	vst v1;
	v1 =	vld [tilespmem:s25+$0x1B7B0]  }
0x1a7: {  	v0 =	vld.idx.msk [tilespmem:v0+s3+$0x0], $0xffff;
	_ =	sdelay $0x5  }
0x1a8: {  	[tilespmem:s25+$0x1D7A0] =	vst v0;
	v0 =	vld [tilespmem:s25+$0x1B7C0]  }
0x1a9: {  	v1 =	vld.idx.msk [tilespmem:v1+s3+$0x0], $0xffff;
	_ =	sdelay $0x5  }
0x1aa: {  	[tilespmem:s25+$0x1D7B0] =	vst v1;
	v1 =	vld [tilespmem:s25+$0x1B7D0]  }
0x1ab: {  	v0 =	vld.idx.msk [tilespmem:v0+s3+$0x0], $0xffff;
	_ =	sdelay $0x5  }
0x1ac: {  	[tilespmem:s25+$0x1D7C0] =	vst v0;
	v2 =	vld [tilespmem:s25+$0x1B7E0]  }
0x1ad: {  	v0 =	vld.idx.msk [tilespmem:v1+s3+$0x0], $0xffff;
	_ =	sdelay $0x5  }
0x1ae: {  	[tilespmem:s25+$0x1D7D0] =	vst v0;
	v0 =	vld [tilespmem:s25+$0x1B7F0]  }
0x1af: {  	v1 =	vld.idx.msk [tilespmem:v2+s3+$0x0], $0xffff  }
.Ltmp3:
0x1b0: {  	(pc) =	sbr.rel @p0 .LBB2_9-.Ltmp3, $2  }
0x1b1: {  	_ =	sdelay $0x2  }
0x1b2: {  	s28 =	sshra.s32 s26, $0x2;
	s26 =	sadd.s32 $0x400, s26  }
0x1b3: {  	_ =	sdelay $0x1  }
0x1b4: {  	v2 =	vld [tilespmem:s28+$0x1B700]  }
0x1b5: {  	[tilespmem:s25+$0x1D7E0] =	vst v1  }
0x1b6: {  	v0 =	vld.idx.msk [tilespmem:v0+s3+$0x0], $0xffff;
	_ =	sdelay $0x3  }
0x1b7: {  	v1 =	vld [tilespmem:s28+$0x1B710]  }
0x1b8: {  	[tilespmem:s25+$0x1D7F0] =	vst v0  }
0x1b9: {  	v0 =	vld.idx.msk [tilespmem:v2+s3+$0x0], $0xffff;
	_ =	sdelay $0x3  }
0x1ba: {  	v50 =	vld [tilespmem:s28+$0x1B720]  }
0x1bb: {  	[tilespmem:s28+$0x1D700] =	vst v0  }
0x1bc: {  	v1 =	vld.idx.msk [tilespmem:v1+s3+$0x0], $0xffff;
	_ =	sdelay $0x3  }
0x1bd: {  	v51 =	vld [tilespmem:s28+$0x1B730]  }
0x1be: {  	[tilespmem:s28+$0x1D710] =	vst v1  }
0x1bf: {  	v0 =	vld.idx.msk [tilespmem:v50+s3+$0x0], $0xffff;
	_ =	sdelay $0x3  }
0x1c0: {  	v52 =	vld [tilespmem:s28+$0x1B740]  }
0x1c1: {  	[tilespmem:s28+$0x1D720] =	vst v0  }
0x1c2: {  	v1 =	vld.idx.msk [tilespmem:v51+s3+$0x0], $0xffff;
	_ =	sdelay $0x3  }
0x1c3: {  	v53 =	vld [tilespmem:s28+$0x1B750]  }
0x1c4: {  	[tilespmem:s28+$0x1D730] =	vst v1  }
0x1c5: {  	v0 =	vld.idx.msk [tilespmem:v52+s3+$0x0], $0xffff;
	_ =	sdelay $0x3  }
0x1c6: {  	v54 =	vld [tilespmem:s28+$0x1B760]  }
0x1c7: {  	[tilespmem:s28+$0x1D740] =	vst v0  }
0x1c8: {  	v1 =	vld.idx.msk [tilespmem:v53+s3+$0x0], $0xffff;
	_ =	sdelay $0x3  }
0x1c9: {  	v55 =	vld [tilespmem:s28+$0x1B770]  }
0x1ca: {  	[tilespmem:s28+$0x1D750] =	vst v1  }
0x1cb: {  	v0 =	vld.idx.msk [tilespmem:v54+s3+$0x0], $0xffff;
	_ =	sdelay $0x3  }
0x1cc: {  	v56 =	vld [tilespmem:s28+$0x1B780]  }
0x1cd: {  	[tilespmem:s28+$0x1D760] =	vst v0  }
0x1ce: {  	v1 =	vld.idx.msk [tilespmem:v55+s3+$0x0], $0xffff;
	_ =	sdelay $0x3  }
0x1cf: {  	v57 =	vld [tilespmem:s28+$0x1B790]  }
0x1d0: {  	[tilespmem:s28+$0x1D770] =	vst v1  }
0x1d1: {  	v0 =	vld.idx.msk [tilespmem:v56+s3+$0x0], $0xffff;
	_ =	sdelay $0x3  }
0x1d2: {  	v58 =	vld [tilespmem:s28+$0x1B7A0]  }
0x1d3: {  	[tilespmem:s28+$0x1D780] =	vst v0  }
0x1d4: {  	v1 =	vld.idx.msk [tilespmem:v57+s3+$0x0], $0xffff;
	_ =	sdelay $0x3  }
0x1d5: {  	v59 =	vld [tilespmem:s28+$0x1B7B0]  }
0x1d6: {  	[tilespmem:s28+$0x1D790] =	vst v1  }
0x1d7: {  	v0 =	vld.idx.msk [tilespmem:v58+s3+$0x0], $0xffff;
	_ =	sdelay $0x3  }
0x1d8: {  	v60 =	vld [tilespmem:s28+$0x1B7C0]  }
0x1d9: {  	[tilespmem:s28+$0x1D7A0] =	vst v0  }
0x1da: {  	v1 =	vld.idx.msk [tilespmem:v59+s3+$0x0], $0xffff;
	_ =	sdelay $0x3  }
0x1db: {  	v61 =	vld [tilespmem:s28+$0x1B7D0]  }
0x1dc: {  	[tilespmem:s28+$0x1D7B0] =	vst v1  }
0x1dd: {  	v0 =	vld.idx.msk [tilespmem:v60+s3+$0x0], $0xffff;
	_ =	sdelay $0x3  }
0x1de: {  	v62 =	vld [tilespmem:s28+$0x1B7E0]  }
0x1df: {  	[tilespmem:s28+$0x1D7C0] =	vst v0  }
0x1e0: {  	v1 =	vld.idx.msk [tilespmem:v61+s3+$0x0], $0xffff;
	_ =	sdelay $0x3  }
0x1e1: {  	v63 =	vld [tilespmem:s28+$0x1B7F0]  }
0x1e2: {  	[tilespmem:s28+$0x1D7D0] =	vst v1  }
0x1e3: {  	v0 =	vld.idx.msk [tilespmem:v62+s3+$0x0], $0xffff;
	_ =	sdelay $0x4  }
0x1e4: {  	[tilespmem:s28+$0x1D7E0] =	vst v0  }
0x1e5: {  	s23 =	sadd.s32 $0x1, s23;
	v0 =	vld.idx.msk [tilespmem:v63+s3+$0x0], $0xffff  }
0x1e6: {  	p0 =	sne.s32 s23, $0x1A  }
.Ltmp4:
0x1e7: {  	_ = 	snop;
	(pc) =	sbr.rel @p0 .LBB2_2-.Ltmp4, $3  }
0x1e8: {  	_ =	sdelay $0x1  }
0x1e9: {  	s24 =	sadd.s32 s24, s11;
	[tilespmem:s28+$0x1D7F0] =	vst v0  }
0x1ea: {  	[hbm4b:s24+s3] =	stream.linear.scatter [tilespmem:s20], [sflag:$0x3], $0x1000, $0x38;
	[tilespmem:$0x1E700] =	vst v63  }
0x1eb: {  	s22 =	sadd.s32 $0x1, s22  }
0x1ec: {  	_ =	swait.ge [sflag:s21], $0x1000;
	p0 =	sne.s32 s22, s12  }
.Ltmp5:
0x1ed: {  	[sflag:s21] =	ssyncset.done $0x0;
	(pc) =	sbr.rel @p0 .LBB2_1-.Ltmp5, $4  }
0x1ee: {  	[sflag:s21] =	ssyncadd.s32 $0xFFFFF000  }
0x1ef: {  	_ =	swait.ge [sflag:s21], $0x1000  }
0x1f0: {  	[sflag:s21] =	ssyncset.done $0x0  }
0x1f1: {  	[sflag:s21] =	ssyncadd.s32 $0xFFFFF000  }
0x1f2: {  	_ =	sfence.sel $0x180000  }
0x1f3: {  	[bflag:$0x0] =	sbarrier.arrive $0xFFFF  }
0x1f4: {  	p0 =	sne.s32 s2, $0x0;
	_ =	strace $0x90000047  }
0x1f5: {  	s0 =	sadd.s32 @!p0 $0x100000, s0;
	[bflag:$0x2] =	sbarrier.arrive $0xFFFF  }
0x1f6: {  	[sflag:s0] =	ssyncadd.tile.s32 @!p0 $0x1;
	_ =	shalt  }
.Lfunc_end2:
_tile_overlayer_lowered:
.L_overlay_start_2:
0x1f7: {  	(tag) =	ssettag $0x2  }
0x1f8: {  	s0 =	rddreg [dreg:$0x0];
	s2 =	stileid.u32  }
0x1f9: {  	s1 =	rddreg [dreg:$0x1];
	p0 =	sne.s32 s2, $0x0  }
0x1fa: {  	s3 =	rddreg [dreg:$0x2];
	[bflag:$0x3] =	sbarrier.arrive $0xFFFF;
	s2 =	simm.s32 @!p0 $0x1C04  }
0x1fb: {  	[timem:s3], [sflag:s2] =	dma.local @!p0 [hbm:s0], s1  }
0x1fc: {  	s0 =	simm.s32 @!p0 $0x4  }
0x1fd: {  	_ =	swait.ge @!p0 [sflag:s0], s1  }
0x1fe: {  	s1 =	ssub.s32 @!p0 $0x0, s1;
	[sflag:s0] =	ssyncset.done @!p0 $0x0  }
0x1ff: {  	[sflag:s0] =	ssyncadd.s32 @!p0 s1  }
0x200: {  	[bflag:$0x3] =	sbarrier.arrive $0xFFFF  }
0x201: {  	_ =	shalt  }

</sc_bundles>
